<compile_context>
chip_gen: v7x
topology: tpu7x:2x2x1
jax: 0.10.2.dev20260603
libtpu: 0.0.44.dev20260713+nightly
codegen_flags: <defaults>
</compile_context>

<pallas_src>
import functools

import jax
import jax.numpy as jnp
from jax import lax
from jax.experimental import pallas as pl
from jax.experimental.pallas import tpu as pltpu
from jax.experimental.pallas import tpu_sc as plsc

NUM_CORES = 2
NUM_SUBCORES = 16
LANES = 16
NW = NUM_CORES * NUM_SUBCORES
NBUF = 3
DIST = 2
BLK = 128
CHUNK = 2560


@functools.lru_cache(maxsize=None)
def _make_sc_kernel(n_edges: int, n_nodes: int):
    assert n_edges % CHUNK == 0
    n_chunks = n_edges // CHUNK
    trips = -(-n_chunks // (NW * NBUF)) * NBUF
    mesh = plsc.VectorSubcoreMesh(
        core_axis_name="c", subcore_axis_name="s",
        num_cores=NUM_CORES, num_subcores=NUM_SUBCORES)

    @functools.partial(
        pl.kernel,
        mesh=mesh,
        out_type=(jax.ShapeDtypeStruct((2, n_edges), jnp.int32),
                  jax.ShapeDtypeStruct((n_edges,), jnp.float32)),
        scratch_types=[
            pltpu.VMEM_SHARED((n_nodes,), jnp.float32),
            pltpu.VMEM((n_nodes,), jnp.float32),
            [pltpu.VMEM((2, CHUNK), jnp.int32)] * NBUF,
            [pltpu.VMEM((CHUNK,), jnp.float32)] * NBUF,
            [pltpu.SemaphoreType.DMA] * NBUF,
            [pltpu.SemaphoreType.DMA] * NBUF,
            [pltpu.SemaphoreType.DMA] * NBUF,
            pltpu.SemaphoreType.DMA,
        ],
        compiler_params=pltpu.CompilerParams(needs_layout_passes=False),
    )
    def k(ei_hbm, conf_hbm, ei_out, w_out, conf_s, conf_v, ei_v, w_v, sin,
          sow, soe, sconf):
        sid = lax.axis_index("s")
        wid = sid * NUM_CORES + lax.axis_index("c")

        @pl.when(sid == 0)
        def _():
            pltpu.async_copy(conf_hbm, conf_s, sconf)

        def cbase_of(ci):
            return jnp.minimum(wid + ci * NW, n_chunks - 1) * CHUNK

        def start_in(ci, b):
            ebase = cbase_of(ci)
            pltpu.async_copy(ei_hbm.at[:, pl.ds(ebase, CHUNK)],
                             ei_v[b], sin[b])

        def wait_in(ci, b):
            ebase = cbase_of(ci)
            pltpu.make_async_copy(ei_hbm.at[:, pl.ds(ebase, CHUNK)],
                                  ei_v[b], sin[b]).wait()

        def start_out(ci, b):
            ebase = cbase_of(ci)
            pltpu.async_copy(w_v[b], w_out.at[pl.ds(ebase, CHUNK)], sow[b])
            pltpu.async_copy(ei_v[b], ei_out.at[:, pl.ds(ebase, CHUNK)],
                             soe[b])

        def wait_out(ci, b):
            ebase = cbase_of(ci)
            pltpu.make_async_copy(w_v[b], w_out.at[pl.ds(ebase, CHUNK)],
                                  sow[b]).wait()
            pltpu.make_async_copy(ei_v[b], ei_out.at[:, pl.ds(ebase, CHUNK)],
                                  soe[b]).wait()

        for ci0 in range(DIST):
            start_in(ci0, ci0 % NBUF)

        @pl.when(sid == 0)
        def _():
            pltpu.make_async_copy(conf_hbm, conf_s, sconf).wait()

        plsc.subcore_barrier()
        pltpu.sync_copy(conf_s, conf_v)

        def outer(g, carry):
            for b in range(NBUF):
                ci = g * NBUF + b
                wait_in(ci, b)

                @plsc.parallel_loop(0, CHUNK, LANES, unroll=8)
                def vec_body(o):
                    si = ei_v[b][0, pl.ds(o, LANES)]
                    di = ei_v[b][1, pl.ds(o, LANES)]
                    cs = plsc.load_gather(conf_v, [si])
                    cd = plsc.load_gather(conf_v, [di])
                    w_v[b][pl.ds(o, LANES)] = jnp.exp(-jnp.abs(cs - cd))

                start_out(ci, b)

                b2 = (b + DIST) % NBUF
                prev = ci - (NBUF - DIST)

                @pl.when(prev >= 0)
                def _():
                    wait_out(prev, b2)

                @pl.when(ci + DIST < trips)
                def _():
                    start_in(ci + DIST, b2)
            return carry

        assert trips % NBUF == 0
        lax.fori_loop(0, trips // NBUF, outer, 0)
        for ci0 in range(trips - (NBUF - DIST), trips):
            wait_out(ci0, ci0 % NBUF)

    return k


def kernel(edge_index, confidences, num_nodes):
    del num_nodes
    n_edges = edge_index.shape[1]
    ei, w = _make_sc_kernel(n_edges, confidences.shape[0])(
        edge_index, confidences)
    return (ei, w)

# --- scband reference (transcript-rebuilt; emitter-appended) ---
"""Pipeline reference for scband-confidence-weighted-edge-88776974008403 (READ-ONLY COPY).

The authoritative reference and input builder live on the scoring server;
editing this copy changes nothing except your own understanding.
"""

import jax, jax.numpy as jnp
import numpy as np

DECAY_RATE = 1.0

def setup_inputs(seed: int = 0) -> dict:
    key = jax.random.key(seed)
    k1, k2 = jax.random.split(key)
    n_nodes = 100000
    n_edges = 6400000
    edge_index = jax.random.randint(k1, (2, n_edges), 0, n_nodes, dtype=jnp.int64)
    confidences = jax.random.uniform(k2, (n_nodes,), dtype=jnp.float32)
    return {"edge_index": edge_index, "confidences": confidences, "num_nodes": n_nodes}

def reference(edge_index, confidences, num_nodes):
    src = edge_index[0]
    dst = edge_index[1]
    c_src = jnp.take(confidences, src, axis=0)
    c_dst = jnp.take(confidences, dst, axis=0)
    conf_diff = jnp.abs(c_src - c_dst)
    edge_weights = jnp.exp(-DECAY_RATE * conf_diff)
    return (edge_index, edge_weights)

if __name__ == "__main__":
    import jax
    _d = setup_inputs()
    print(jax.jit(kernel)(*tuple(_d.values())))

</pallas_src>

<mosaic_0001>
#map = affine_map<(d0, d1) -> (0, 0)>
#map1 = affine_map<(d0, d1) -> (0)>
module attributes {stable_mosaic.version = 14 : i64} {
  func.func @k(%arg0: i32, %arg1: i32, %arg2: memref<2x6400000xi32, #tpu.memory_space<hbm>>, %arg3: memref<100000xf32, #tpu.memory_space<hbm>>, %arg4: memref<2x6400000xi32, #tpu.memory_space<hbm>>, %arg5: memref<6400000xf32, #tpu.memory_space<hbm>>, %arg6: memref<100000xf32, #tpu.memory_space<vmem_shared>>, %arg7: memref<100000xf32, #tpu.memory_space<vmem>>, %arg8: memref<2x2560xi32, #tpu.memory_space<vmem>>, %arg9: memref<2x2560xi32, #tpu.memory_space<vmem>>, %arg10: memref<2x2560xi32, #tpu.memory_space<vmem>>, %arg11: memref<2560xf32, #tpu.memory_space<vmem>>, %arg12: memref<2560xf32, #tpu.memory_space<vmem>>, %arg13: memref<2560xf32, #tpu.memory_space<vmem>>, %arg14: memref<!tpu.dma_semaphore, #tpu.memory_space<semaphore_mem>>, %arg15: memref<!tpu.dma_semaphore, #tpu.memory_space<semaphore_mem>>, %arg16: memref<!tpu.dma_semaphore, #tpu.memory_space<semaphore_mem>>, %arg17: memref<!tpu.dma_semaphore, #tpu.memory_space<semaphore_mem>>, %arg18: memref<!tpu.dma_semaphore, #tpu.memory_space<semaphore_mem>>, %arg19: memref<!tpu.dma_semaphore, #tpu.memory_space<semaphore_mem>>, %arg20: memref<!tpu.dma_semaphore, #tpu.memory_space<semaphore_mem>>, %arg21: memref<!tpu.dma_semaphore, #tpu.memory_space<semaphore_mem>>, %arg22: memref<!tpu.dma_semaphore, #tpu.memory_space<semaphore_mem>>, %arg23: memref<!tpu.dma_semaphore, #tpu.memory_space<semaphore_mem>>) attributes {dimension_semantics = [#tpu.dimension_semantics<core_parallel>, #tpu.dimension_semantics<subcore_parallel>], iteration_bounds = array<i64: 2, 16>, scalar_prefetch = 0 : i64, scratch_operands = 18 : i64, tpu.core_type = #tpu.core_type<sc_vector_subcore>, window_params = [{transform_indices = #map}, {transform_indices = #map1}, {transform_indices = #map}, {transform_indices = #map1}]} {
    %mul3A = arith.constant 2 : i32
    %mul3A_0 = arith.muli %arg1, %mul3A : i32
    %add3A = arith.addi %mul3A_0, %arg0 : i32
    %eq3A = arith.constant 0 : i32
    %eq3A_1 = arith.cmpi eq, %arg1, %eq3A : i32
    %convert_element_type3A = arith.extui %eq3A_1 : i1 to i32
    %cond3A = arith.constant 0 : i32
    %cond3A_2 = arith.cmpi ne, %convert_element_type3A, %cond3A : i32
    scf.if %cond3A_2 {
      tpu.enqueue_dma source(%arg3 : memref<100000xf32, #tpu.memory_space<hbm>>) target(%arg6 : memref<100000xf32, #tpu.memory_space<vmem_shared>>) target_semaphore(%arg23 : memref<!tpu.dma_semaphore, #tpu.memory_space<semaphore_mem>>)
    } else {
    }
    %add3A_3 = arith.constant 0 : i32
    %add3A_4 = arith.addi %add3A, %add3A_3 : i32
    %min3A = arith.constant 2499 : i32
    %min3A_5 = arith.minsi %add3A_4, %min3A : i32
    %mul3A_6 = arith.constant 2560 : i32
    %mul3A_7 = arith.muli %min3A_5, %mul3A_6 : i32
    %dma_start3A = arith.constant 0 : i32
    %dma_start3A_8 = tpu.memref_slice %arg2[%dma_start3A, %mul3A_7] : memref<2x6400000xi32, #tpu.memory_space<hbm>> -> memref<2x2560xi32, #tpu.memory_space<hbm>>
    %dma_start3A_9 = arith.constant 0 : i32
    %dma_start3A_10 = tpu.memref_slice %arg2[%dma_start3A_9, %mul3A_7] : memref<2x6400000xi32, #tpu.memory_space<hbm>> -> memref<2x2560xi32, #tpu.memory_space<hbm>>
    tpu.enqueue_dma source(%dma_start3A_10 : memref<2x2560xi32, #tpu.memory_space<hbm>>) target(%arg8 : memref<2x2560xi32, #tpu.memory_space<vmem>>) target_semaphore(%arg14 : memref<!tpu.dma_semaphore, #tpu.memory_space<semaphore_mem>>)
    %add3A_11 = arith.constant 32 : i32
    %add3A_12 = arith.addi %add3A, %add3A_11 : i32
    %min3A_13 = arith.constant 2499 : i32
    %min3A_14 = arith.minsi %add3A_12, %min3A_13 : i32
    %mul3A_15 = arith.constant 2560 : i32
    %mul3A_16 = arith.muli %min3A_14, %mul3A_15 : i32
    %dma_start3A_17 = arith.constant 0 : i32
    %dma_start3A_18 = tpu.memref_slice %arg2[%dma_start3A_17, %mul3A_16] : memref<2x6400000xi32, #tpu.memory_space<hbm>> -> memref<2x2560xi32, #tpu.memory_space<hbm>>
    %dma_start3A_19 = arith.constant 0 : i32
    %dma_start3A_20 = tpu.memref_slice %arg2[%dma_start3A_19, %mul3A_16] : memref<2x6400000xi32, #tpu.memory_space<hbm>> -> memref<2x2560xi32, #tpu.memory_space<hbm>>
    tpu.enqueue_dma source(%dma_start3A_20 : memref<2x2560xi32, #tpu.memory_space<hbm>>) target(%arg9 : memref<2x2560xi32, #tpu.memory_space<vmem>>) target_semaphore(%arg15 : memref<!tpu.dma_semaphore, #tpu.memory_space<semaphore_mem>>)
    %eq3A_21 = arith.constant 0 : i32
    %eq3A_22 = arith.cmpi eq, %arg1, %eq3A_21 : i32
    %convert_element_type3A_23 = arith.extui %eq3A_22 : i1 to i32
    %cond3A_24 = arith.constant 0 : i32
    %cond3A_25 = arith.cmpi ne, %convert_element_type3A_23, %cond3A_24 : i32
    scf.if %cond3A_25 {
      tpu.wait_dma2 semaphore(%arg23 : memref<!tpu.dma_semaphore, #tpu.memory_space<semaphore_mem>>) src(%arg3 : memref<100000xf32, #tpu.memory_space<hbm>>) dst(%arg6 : memref<100000xf32, #tpu.memory_space<vmem_shared>>)
    } else {
    }
    %barrier3A = arith.constant 0 : index
    tpu.barrier barrier_id(%barrier3A)
    "tpu.region"() ({
      %run_scoped3A = tpu.sem_alloc : memref<!tpu.dma_semaphore, #tpu.memory_space<semaphore_mem>>
      tpu.enqueue_dma source(%arg6 : memref<100000xf32, #tpu.memory_space<vmem_shared>>) target(%arg7 : memref<100000xf32, #tpu.memory_space<vmem>>) target_semaphore(%run_scoped3A : memref<!tpu.dma_semaphore, #tpu.memory_space<semaphore_mem>>)
      tpu.wait_dma2 semaphore(%run_scoped3A : memref<!tpu.dma_semaphore, #tpu.memory_space<semaphore_mem>>) src(%arg6 : memref<100000xf32, #tpu.memory_space<vmem_shared>>) dst(%arg7 : memref<100000xf32, #tpu.memory_space<vmem>>)
      tpu.yield
    }) : () -> ()
    %scan3A = arith.constant 0 : i32
    %scan3A_26 = arith.constant 0 : i32
    %scan3A_27 = arith.constant 27 : i32
    %scan3A_28 = arith.addi %scan3A_26, %scan3A_27 : i32
    %scan3A_29 = arith.constant 1 : i32
    scf.for %scan3A_42 = %scan3A_26 to %scan3A_28 step %scan3A_29  : i32 {
      %mul3A_43 = arith.constant 3 : i32
      %mul3A_44 = arith.muli %scan3A_42, %mul3A_43 : i32
      %add3A_45 = arith.constant 0 : i32
      %add3A_46 = arith.addi %mul3A_44, %add3A_45 : i32
      %mul3A_47 = arith.constant 32 : i32
      %mul3A_48 = arith.muli %add3A_46, %mul3A_47 : i32
      %add3A_49 = arith.addi %add3A, %mul3A_48 : i32
      %min3A_50 = arith.constant 2499 : i32
      %min3A_51 = arith.minsi %add3A_49, %min3A_50 : i32
      %mul3A_52 = arith.constant 2560 : i32
      %mul3A_53 = arith.muli %min3A_51, %mul3A_52 : i32
      %dma_wait3A_54 = arith.constant 0 : i32
      %dma_wait3A_55 = tpu.memref_slice %arg2[%dma_wait3A_54, %mul3A_53] : memref<2x6400000xi32, #tpu.memory_space<hbm>> -> memref<2x2560xi32, #tpu.memory_space<hbm>>
      %dma_wait3A_56 = arith.constant 0 : i32
      %dma_wait3A_57 = tpu.memref_slice %arg2[%dma_wait3A_56, %mul3A_53] : memref<2x6400000xi32, #tpu.memory_space<hbm>> -> memref<2x2560xi32, #tpu.memory_space<hbm>>
      tpu.wait_dma2 semaphore(%arg14 : memref<!tpu.dma_semaphore, #tpu.memory_space<semaphore_mem>>) src(%dma_wait3A_57 : memref<2x2560xi32, #tpu.memory_space<hbm>>) dst(%arg8 : memref<2x2560xi32, #tpu.memory_space<vmem>>)
      %parallel_loop3A = arith.constant 0 : i32
      %parallel_loop3A_58 = arith.constant 2560 : i32
      %parallel_loop3A_59 = arith.constant 16 : i32
      scf.for %parallel_loop3A_174 = %parallel_loop3A to %parallel_loop3A_58 step %parallel_loop3A_59  : i32 {
        %parallel_loop3A_175 = arith.constant 0 : i32
        %parallel_loop3A_176 = arith.index_cast %parallel_loop3A_175 : i32 to index
        %parallel_loop3A_177 = arith.index_cast %parallel_loop3A_174 : i32 to index
        %parallel_loop3A_178 = tpu.vector_load %arg8[%parallel_loop3A_176, %parallel_loop3A_177] {strides = array<i32>} : memref<2x2560xi32, #tpu.memory_space<vmem>>, vector<16xi32>,
        %parallel_loop3A_179 = arith.constant 1 : i32
        %parallel_loop3A_180 = arith.index_cast %parallel_loop3A_179 : i32 to index
        %parallel_loop3A_181 = arith.index_cast %parallel_loop3A_174 : i32 to index
        %parallel_loop3A_182 = tpu.vector_load %arg8[%parallel_loop3A_180, %parallel_loop3A_181] {strides = array<i32>} : memref<2x2560xi32, #tpu.memory_space<vmem>>, vector<16xi32>,
        %parallel_loop3A_183 = tpu.vector_load_idx %arg7[%parallel_loop3A_178] : memref<100000xf32, #tpu.memory_space<vmem>>[vector<16xi32>], vector<16xf32>,
        %parallel_loop3A_184 = tpu.vector_load_idx %arg7[%parallel_loop3A_182] : memref<100000xf32, #tpu.memory_space<vmem>>[vector<16xi32>], vector<16xf32>,
        %parallel_loop3A_185 = arith.subf %parallel_loop3A_183, %parallel_loop3A_184 : vector<16xf32>
        %parallel_loop3A_186 = math.absf %parallel_loop3A_185 : vector<16xf32>
        %parallel_loop3A_187 = arith.constant 0.000000e+00 : f32
        %parallel_loop3A_188 = vector.broadcast %parallel_loop3A_187 : f32 to vector<16xf32>
        %parallel_loop3A_189 = arith.subf %parallel_loop3A_188, %parallel_loop3A_186 : vector<16xf32>
        %parallel_loop3A_190 = math.exp %parallel_loop3A_189 : vector<16xf32>
        %parallel_loop3A_191 = arith.index_cast %parallel_loop3A_174 : i32 to index
        %parallel_loop3A_192 = tpu.vector_load %arg11[%parallel_loop3A_191] {strides = array<i32>} : memref<2560xf32, #tpu.memory_space<vmem>>, vector<16xf32>,
        tpu.vector_store %arg11[%parallel_loop3A_191], %parallel_loop3A_190 {strides = array<i32>} : memref<2560xf32, #tpu.memory_space<vmem>>, vector<16xf32>,
      } {sc.loop_unroll_factor = 8 : i64, sc.parallel_access}
      %mul3A_60 = arith.constant 32 : i32
      %mul3A_61 = arith.muli %add3A_46, %mul3A_60 : i32
      %add3A_62 = arith.addi %add3A, %mul3A_61 : i32
      %min3A_63 = arith.constant 2499 : i32
      %min3A_64 = arith.minsi %add3A_62, %min3A_63 : i32
      %mul3A_65 = arith.constant 2560 : i32
      %mul3A_66 = arith.muli %min3A_64, %mul3A_65 : i32
      %dma_start3A_67 = tpu.memref_slice %arg5[%mul3A_66] : memref<6400000xf32, #tpu.memory_space<hbm>> -> memref<2560xf32, #tpu.memory_space<hbm>>
      %dma_start3A_68 = tpu.memref_slice %arg5[%mul3A_66] : memref<6400000xf32, #tpu.memory_space<hbm>> -> memref<2560xf32, #tpu.memory_space<hbm>>
      tpu.enqueue_dma source(%arg11 : memref<2560xf32, #tpu.memory_space<vmem>>) target(%dma_start3A_68 : memref<2560xf32, #tpu.memory_space<hbm>>) target_semaphore(%arg17 : memref<!tpu.dma_semaphore, #tpu.memory_space<semaphore_mem>>)
      %dma_start3A_69 = arith.constant 0 : i32
      %dma_start3A_70 = tpu.memref_slice %arg4[%dma_start3A_69, %mul3A_66] : memref<2x6400000xi32, #tpu.memory_space<hbm>> -> memref<2x2560xi32, #tpu.memory_space<hbm>>
      %dma_start3A_71 = arith.constant 0 : i32
      %dma_start3A_72 = tpu.memref_slice %arg4[%dma_start3A_71, %mul3A_66] : memref<2x6400000xi32, #tpu.memory_space<hbm>> -> memref<2x2560xi32, #tpu.memory_space<hbm>>
      tpu.enqueue_dma source(%arg8 : memref<2x2560xi32, #tpu.memory_space<vmem>>) target(%dma_start3A_72 : memref<2x2560xi32, #tpu.memory_space<hbm>>) target_semaphore(%arg20 : memref<!tpu.dma_semaphore, #tpu.memory_space<semaphore_mem>>)
      %sub3A = arith.constant 1 : i32
      %sub3A_73 = arith.subi %add3A_46, %sub3A : i32
      %ge3A = arith.constant 0 : i32
      %ge3A_74 = arith.cmpi sge, %sub3A_73, %ge3A : i32
      %convert_element_type3A_75 = arith.extui %ge3A_74 : i1 to i32
      %cond3A_76 = arith.constant 0 : i32
      %cond3A_77 = arith.cmpi ne, %convert_element_type3A_75, %cond3A_76 : i32
      scf.if %cond3A_77 {
        %mul3A_174 = arith.constant 32 : i32
        %mul3A_175 = arith.muli %sub3A_73, %mul3A_174 : i32
        %add3A_176 = arith.addi %add3A, %mul3A_175 : i32
        %min3A_177 = arith.constant 2499 : i32
        %min3A_178 = arith.minsi %add3A_176, %min3A_177 : i32
        %mul3A_179 = arith.constant 2560 : i32
        %mul3A_180 = arith.muli %min3A_178, %mul3A_179 : i32
        %dma_wait3A_181 = tpu.memref_slice %arg5[%mul3A_180] : memref<6400000xf32, #tpu.memory_space<hbm>> -> memref<2560xf32, #tpu.memory_space<hbm>>
        %dma_wait3A_182 = tpu.memref_slice %arg5[%mul3A_180] : memref<6400000xf32, #tpu.memory_space<hbm>> -> memref<2560xf32, #tpu.memory_space<hbm>>
        tpu.wait_dma2 semaphore(%arg19 : memref<!tpu.dma_semaphore, #tpu.memory_space<semaphore_mem>>) src(%arg13 : memref<2560xf32, #tpu.memory_space<vmem>>) dst(%dma_wait3A_182 : memref<2560xf32, #tpu.memory_space<hbm>>)
        %dma_wait3A_183 = arith.constant 0 : i32
        %dma_wait3A_184 = tpu.memref_slice %arg4[%dma_wait3A_183, %mul3A_180] : memref<2x6400000xi32, #tpu.memory_space<hbm>> -> memref<2x2560xi32, #tpu.memory_space<hbm>>
        %dma_wait3A_185 = arith.constant 0 : i32
        %dma_wait3A_186 = tpu.memref_slice %arg4[%dma_wait3A_185, %mul3A_180] : memref<2x6400000xi32, #tpu.memory_space<hbm>> -> memref<2x2560xi32, #tpu.memory_space<hbm>>
        tpu.wait_dma2 semaphore(%arg22 : memref<!tpu.dma_semaphore, #tpu.memory_space<semaphore_mem>>) src(%arg10 : memref<2x2560xi32, #tpu.memory_space<vmem>>) dst(%dma_wait3A_186 : memref<2x2560xi32, #tpu.memory_space<hbm>>)
      } else {
      }
      %add3A_78 = arith.constant 2 : i32
      %add3A_79 = arith.addi %add3A_46, %add3A_78 : i32
      %lt3A = arith.constant 81 : i32
      %lt3A_80 = arith.cmpi slt, %add3A_79, %lt3A : i32
      %convert_element_type3A_81 = arith.extui %lt3A_80 : i1 to i32
      %cond3A_82 = arith.constant 0 : i32
      %cond3A_83 = arith.cmpi ne, %convert_element_type3A_81, %cond3A_82 : i32
      scf.if %cond3A_83 {
        %add3A_174 = arith.constant 2 : i32
        %add3A_175 = arith.addi %add3A_46, %add3A_174 : i32
        %mul3A_176 = arith.constant 32 : i32
        %mul3A_177 = arith.muli %add3A_175, %mul3A_176 : i32
        %add3A_178 = arith.addi %add3A, %mul3A_177 : i32
        %min3A_179 = arith.constant 2499 : i32
        %min3A_180 = arith.minsi %add3A_178, %min3A_179 : i32
        %mul3A_181 = arith.constant 2560 : i32
        %mul3A_182 = arith.muli %min3A_180, %mul3A_181 : i32
        %dma_start3A_183 = arith.constant 0 : i32
        %dma_start3A_184 = tpu.memref_slice %arg2[%dma_start3A_183, %mul3A_182] : memref<2x6400000xi32, #tpu.memory_space<hbm>> -> memref<2x2560xi32, #tpu.memory_space<hbm>>
        %dma_start3A_185 = arith.constant 0 : i32
        %dma_start3A_186 = tpu.memref_slice %arg2[%dma_start3A_185, %mul3A_182] : memref<2x6400000xi32, #tpu.memory_space<hbm>> -> memref<2x2560xi32, #tpu.memory_space<hbm>>
        tpu.enqueue_dma source(%dma_start3A_186 : memref<2x2560xi32, #tpu.memory_space<hbm>>) target(%arg10 : memref<2x2560xi32, #tpu.memory_space<vmem>>) target_semaphore(%arg16 : memref<!tpu.dma_semaphore, #tpu.memory_space<semaphore_mem>>)
      } else {
      }
      %mul3A_84 = arith.constant 3 : i32
      %mul3A_85 = arith.muli %scan3A_42, %mul3A_84 : i32
      %add3A_86 = arith.constant 1 : i32
      %add3A_87 = arith.addi %mul3A_85, %add3A_86 : i32
      %mul3A_88 = arith.constant 32 : i32
      %mul3A_89 = arith.muli %add3A_87, %mul3A_88 : i32
      %add3A_90 = arith.addi %add3A, %mul3A_89 : i32
      %min3A_91 = arith.constant 2499 : i32
      %min3A_92 = arith.minsi %add3A_90, %min3A_91 : i32
      %mul3A_93 = arith.constant 2560 : i32
      %mul3A_94 = arith.muli %min3A_92, %mul3A_93 : i32
      %dma_wait3A_95 = arith.constant 0 : i32
      %dma_wait3A_96 = tpu.memref_slice %arg2[%dma_wait3A_95, %mul3A_94] : memref<2x6400000xi32, #tpu.memory_space<hbm>> -> memref<2x2560xi32, #tpu.memory_space<hbm>>
      %dma_wait3A_97 = arith.constant 0 : i32
      %dma_wait3A_98 = tpu.memref_slice %arg2[%dma_wait3A_97, %mul3A_94] : memref<2x6400000xi32, #tpu.memory_space<hbm>> -> memref<2x2560xi32, #tpu.memory_space<hbm>>
      tpu.wait_dma2 semaphore(%arg15 : memref<!tpu.dma_semaphore, #tpu.memory_space<semaphore_mem>>) src(%dma_wait3A_98 : memref<2x2560xi32, #tpu.memory_space<hbm>>) dst(%arg9 : memref<2x2560xi32, #tpu.memory_space<vmem>>)
      %parallel_loop3A_99 = arith.constant 0 : i32
      %parallel_loop3A_100 = arith.constant 2560 : i32
      %parallel_loop3A_101 = arith.constant 16 : i32
      scf.for %parallel_loop3A_174 = %parallel_loop3A_99 to %parallel_loop3A_100 step %parallel_loop3A_101  : i32 {
        %parallel_loop3A_175 = arith.constant 0 : i32
        %parallel_loop3A_176 = arith.index_cast %parallel_loop3A_175 : i32 to index
        %parallel_loop3A_177 = arith.index_cast %parallel_loop3A_174 : i32 to index
        %parallel_loop3A_178 = tpu.vector_load %arg9[%parallel_loop3A_176, %parallel_loop3A_177] {strides = array<i32>} : memref<2x2560xi32, #tpu.memory_space<vmem>>, vector<16xi32>,
        %parallel_loop3A_179 = arith.constant 1 : i32
        %parallel_loop3A_180 = arith.index_cast %parallel_loop3A_179 : i32 to index
        %parallel_loop3A_181 = arith.index_cast %parallel_loop3A_174 : i32 to index
        %parallel_loop3A_182 = tpu.vector_load %arg9[%parallel_loop3A_180, %parallel_loop3A_181] {strides = array<i32>} : memref<2x2560xi32, #tpu.memory_space<vmem>>, vector<16xi32>,
        %parallel_loop3A_183 = tpu.vector_load_idx %arg7[%parallel_loop3A_178] : memref<100000xf32, #tpu.memory_space<vmem>>[vector<16xi32>], vector<16xf32>,
        %parallel_loop3A_184 = tpu.vector_load_idx %arg7[%parallel_loop3A_182] : memref<100000xf32, #tpu.memory_space<vmem>>[vector<16xi32>], vector<16xf32>,
        %parallel_loop3A_185 = arith.subf %parallel_loop3A_183, %parallel_loop3A_184 : vector<16xf32>
        %parallel_loop3A_186 = math.absf %parallel_loop3A_185 : vector<16xf32>
        %parallel_loop3A_187 = arith.constant 0.000000e+00 : f32
        %parallel_loop3A_188 = vector.broadcast %parallel_loop3A_187 : f32 to vector<16xf32>
        %parallel_loop3A_189 = arith.subf %parallel_loop3A_188, %parallel_loop3A_186 : vector<16xf32>
        %parallel_loop3A_190 = math.exp %parallel_loop3A_189 : vector<16xf32>
        %parallel_loop3A_191 = arith.index_cast %parallel_loop3A_174 : i32 to index
        %parallel_loop3A_192 = tpu.vector_load %arg12[%parallel_loop3A_191] {strides = array<i32>} : memref<2560xf32, #tpu.memory_space<vmem>>, vector<16xf32>,
        tpu.vector_store %arg12[%parallel_loop3A_191], %parallel_loop3A_190 {strides = array<i32>} : memref<2560xf32, #tpu.memory_space<vmem>>, vector<16xf32>,
      } {sc.loop_unroll_factor = 8 : i64, sc.parallel_access}
      %mul3A_102 = arith.constant 32 : i32
      %mul3A_103 = arith.muli %add3A_87, %mul3A_102 : i32
      %add3A_104 = arith.addi %add3A, %mul3A_103 : i32
      %min3A_105 = arith.constant 2499 : i32
      %min3A_106 = arith.minsi %add3A_104, %min3A_105 : i32
      %mul3A_107 = arith.constant 2560 : i32
      %mul3A_108 = arith.muli %min3A_106, %mul3A_107 : i32
      %dma_start3A_109 = tpu.memref_slice %arg5[%mul3A_108] : memref<6400000xf32, #tpu.memory_space<hbm>> -> memref<2560xf32, #tpu.memory_space<hbm>>
      %dma_start3A_110 = tpu.memref_slice %arg5[%mul3A_108] : memref<6400000xf32, #tpu.memory_space<hbm>> -> memref<2560xf32, #tpu.memory_space<hbm>>
      tpu.enqueue_dma source(%arg12 : memref<2560xf32, #tpu.memory_space<vmem>>) target(%dma_start3A_110 : memref<2560xf32, #tpu.memory_space<hbm>>) target_semaphore(%arg18 : memref<!tpu.dma_semaphore, #tpu.memory_space<semaphore_mem>>)
      %dma_start3A_111 = arith.constant 0 : i32
      %dma_start3A_112 = tpu.memref_slice %arg4[%dma_start3A_111, %mul3A_108] : memref<2x6400000xi32, #tpu.memory_space<hbm>> -> memref<2x2560xi32, #tpu.memory_space<hbm>>
      %dma_start3A_113 = arith.constant 0 : i32
      %dma_start3A_114 = tpu.memref_slice %arg4[%dma_start3A_113, %mul3A_108] : memref<2x6400000xi32, #tpu.memory_space<hbm>> -> memref<2x2560xi32, #tpu.memory_space<hbm>>
      tpu.enqueue_dma source(%arg9 : memref<2x2560xi32, #tpu.memory_space<vmem>>) target(%dma_start3A_114 : memref<2x2560xi32, #tpu.memory_space<hbm>>) target_semaphore(%arg21 : memref<!tpu.dma_semaphore, #tpu.memory_space<semaphore_mem>>)
      %sub3A_115 = arith.constant 1 : i32
      %sub3A_116 = arith.subi %add3A_87, %sub3A_115 : i32
      %ge3A_117 = arith.constant 0 : i32
      %ge3A_118 = arith.cmpi sge, %sub3A_116, %ge3A_117 : i32
      %convert_element_type3A_119 = arith.extui %ge3A_118 : i1 to i32
      %cond3A_120 = arith.constant 0 : i32
      %cond3A_121 = arith.cmpi ne, %convert_element_type3A_119, %cond3A_120 : i32
      scf.if %cond3A_121 {
        %mul3A_174 = arith.constant 32 : i32
        %mul3A_175 = arith.muli %sub3A_116, %mul3A_174 : i32
        %add3A_176 = arith.addi %add3A, %mul3A_175 : i32
        %min3A_177 = arith.constant 2499 : i32
        %min3A_178 = arith.minsi %add3A_176, %min3A_177 : i32
        %mul3A_179 = arith.constant 2560 : i32
        %mul3A_180 = arith.muli %min3A_178, %mul3A_179 : i32
        %dma_wait3A_181 = tpu.memref_slice %arg5[%mul3A_180] : memref<6400000xf32, #tpu.memory_space<hbm>> -> memref<2560xf32, #tpu.memory_space<hbm>>
        %dma_wait3A_182 = tpu.memref_slice %arg5[%mul3A_180] : memref<6400000xf32, #tpu.memory_space<hbm>> -> memref<2560xf32, #tpu.memory_space<hbm>>
        tpu.wait_dma2 semaphore(%arg17 : memref<!tpu.dma_semaphore, #tpu.memory_space<semaphore_mem>>) src(%arg11 : memref<2560xf32, #tpu.memory_space<vmem>>) dst(%dma_wait3A_182 : memref<2560xf32, #tpu.memory_space<hbm>>)
        %dma_wait3A_183 = arith.constant 0 : i32
        %dma_wait3A_184 = tpu.memref_slice %arg4[%dma_wait3A_183, %mul3A_180] : memref<2x6400000xi32, #tpu.memory_space<hbm>> -> memref<2x2560xi32, #tpu.memory_space<hbm>>
        %dma_wait3A_185 = arith.constant 0 : i32
        %dma_wait3A_186 = tpu.memref_slice %arg4[%dma_wait3A_185, %mul3A_180] : memref<2x6400000xi32, #tpu.memory_space<hbm>> -> memref<2x2560xi32, #tpu.memory_space<hbm>>
        tpu.wait_dma2 semaphore(%arg20 : memref<!tpu.dma_semaphore, #tpu.memory_space<semaphore_mem>>) src(%arg8 : memref<2x2560xi32, #tpu.memory_space<vmem>>) dst(%dma_wait3A_186 : memref<2x2560xi32, #tpu.memory_space<hbm>>)
      } else {
      }
      %add3A_122 = arith.constant 2 : i32
      %add3A_123 = arith.addi %add3A_87, %add3A_122 : i32
      %lt3A_124 = arith.constant 81 : i32
      %lt3A_125 = arith.cmpi slt, %add3A_123, %lt3A_124 : i32
      %convert_element_type3A_126 = arith.extui %lt3A_125 : i1 to i32
      %cond3A_127 = arith.constant 0 : i32
      %cond3A_128 = arith.cmpi ne, %convert_element_type3A_126, %cond3A_127 : i32
      scf.if %cond3A_128 {
        %add3A_174 = arith.constant 2 : i32
        %add3A_175 = arith.addi %add3A_87, %add3A_174 : i32
        %mul3A_176 = arith.constant 32 : i32
        %mul3A_177 = arith.muli %add3A_175, %mul3A_176 : i32
        %add3A_178 = arith.addi %add3A, %mul3A_177 : i32
        %min3A_179 = arith.constant 2499 : i32
        %min3A_180 = arith.minsi %add3A_178, %min3A_179 : i32
        %mul3A_181 = arith.constant 2560 : i32
        %mul3A_182 = arith.muli %min3A_180, %mul3A_181 : i32
        %dma_start3A_183 = arith.constant 0 : i32
        %dma_start3A_184 = tpu.memref_slice %arg2[%dma_start3A_183, %mul3A_182] : memref<2x6400000xi32, #tpu.memory_space<hbm>> -> memref<2x2560xi32, #tpu.memory_space<hbm>>
        %dma_start3A_185 = arith.constant 0 : i32
        %dma_start3A_186 = tpu.memref_slice %arg2[%dma_start3A_185, %mul3A_182] : memref<2x6400000xi32, #tpu.memory_space<hbm>> -> memref<2x2560xi32, #tpu.memory_space<hbm>>
        tpu.enqueue_dma source(%dma_start3A_186 : memref<2x2560xi32, #tpu.memory_space<hbm>>) target(%arg8 : memref<2x2560xi32, #tpu.memory_space<vmem>>) target_semaphore(%arg14 : memref<!tpu.dma_semaphore, #tpu.memory_space<semaphore_mem>>)
      } else {
      }
      %mul3A_129 = arith.constant 3 : i32
      %mul3A_130 = arith.muli %scan3A_42, %mul3A_129 : i32
      %add3A_131 = arith.constant 2 : i32
      %add3A_132 = arith.addi %mul3A_130, %add3A_131 : i32
      %mul3A_133 = arith.constant 32 : i32
      %mul3A_134 = arith.muli %add3A_132, %mul3A_133 : i32
      %add3A_135 = arith.addi %add3A, %mul3A_134 : i32
      %min3A_136 = arith.constant 2499 : i32
      %min3A_137 = arith.minsi %add3A_135, %min3A_136 : i32
      %mul3A_138 = arith.constant 2560 : i32
      %mul3A_139 = arith.muli %min3A_137, %mul3A_138 : i32
      %dma_wait3A_140 = arith.constant 0 : i32
      %dma_wait3A_141 = tpu.memref_slice %arg2[%dma_wait3A_140, %mul3A_139] : memref<2x6400000xi32, #tpu.memory_space<hbm>> -> memref<2x2560xi32, #tpu.memory_space<hbm>>
      %dma_wait3A_142 = arith.constant 0 : i32
      %dma_wait3A_143 = tpu.memref_slice %arg2[%dma_wait3A_142, %mul3A_139] : memref<2x6400000xi32, #tpu.memory_space<hbm>> -> memref<2x2560xi32, #tpu.memory_space<hbm>>
      tpu.wait_dma2 semaphore(%arg16 : memref<!tpu.dma_semaphore, #tpu.memory_space<semaphore_mem>>) src(%dma_wait3A_143 : memref<2x2560xi32, #tpu.memory_space<hbm>>) dst(%arg10 : memref<2x2560xi32, #tpu.memory_space<vmem>>)
      %parallel_loop3A_144 = arith.constant 0 : i32
      %parallel_loop3A_145 = arith.constant 2560 : i32
      %parallel_loop3A_146 = arith.constant 16 : i32
      scf.for %parallel_loop3A_174 = %parallel_loop3A_144 to %parallel_loop3A_145 step %parallel_loop3A_146  : i32 {
        %parallel_loop3A_175 = arith.constant 0 : i32
        %parallel_loop3A_176 = arith.index_cast %parallel_loop3A_175 : i32 to index
        %parallel_loop3A_177 = arith.index_cast %parallel_loop3A_174 : i32 to index
        %parallel_loop3A_178 = tpu.vector_load %arg10[%parallel_loop3A_176, %parallel_loop3A_177] {strides = array<i32>} : memref<2x2560xi32, #tpu.memory_space<vmem>>, vector<16xi32>,
        %parallel_loop3A_179 = arith.constant 1 : i32
        %parallel_loop3A_180 = arith.index_cast %parallel_loop3A_179 : i32 to index
        %parallel_loop3A_181 = arith.index_cast %parallel_loop3A_174 : i32 to index
        %parallel_loop3A_182 = tpu.vector_load %arg10[%parallel_loop3A_180, %parallel_loop3A_181] {strides = array<i32>} : memref<2x2560xi32, #tpu.memory_space<vmem>>, vector<16xi32>,
        %parallel_loop3A_183 = tpu.vector_load_idx %arg7[%parallel_loop3A_178] : memref<100000xf32, #tpu.memory_space<vmem>>[vector<16xi32>], vector<16xf32>,
        %parallel_loop3A_184 = tpu.vector_load_idx %arg7[%parallel_loop3A_182] : memref<100000xf32, #tpu.memory_space<vmem>>[vector<16xi32>], vector<16xf32>,
        %parallel_loop3A_185 = arith.subf %parallel_loop3A_183, %parallel_loop3A_184 : vector<16xf32>
        %parallel_loop3A_186 = math.absf %parallel_loop3A_185 : vector<16xf32>
        %parallel_loop3A_187 = arith.constant 0.000000e+00 : f32
        %parallel_loop3A_188 = vector.broadcast %parallel_loop3A_187 : f32 to vector<16xf32>
        %parallel_loop3A_189 = arith.subf %parallel_loop3A_188, %parallel_loop3A_186 : vector<16xf32>
        %parallel_loop3A_190 = math.exp %parallel_loop3A_189 : vector<16xf32>
        %parallel_loop3A_191 = arith.index_cast %parallel_loop3A_174 : i32 to index
        %parallel_loop3A_192 = tpu.vector_load %arg13[%parallel_loop3A_191] {strides = array<i32>} : memref<2560xf32, #tpu.memory_space<vmem>>, vector<16xf32>,
        tpu.vector_store %arg13[%parallel_loop3A_191], %parallel_loop3A_190 {strides = array<i32>} : memref<2560xf32, #tpu.memory_space<vmem>>, vector<16xf32>,
      } {sc.loop_unroll_factor = 8 : i64, sc.parallel_access}
      %mul3A_147 = arith.constant 32 : i32
      %mul3A_148 = arith.muli %add3A_132, %mul3A_147 : i32
      %add3A_149 = arith.addi %add3A, %mul3A_148 : i32
      %min3A_150 = arith.constant 2499 : i32
      %min3A_151 = arith.minsi %add3A_149, %min3A_150 : i32
      %mul3A_152 = arith.constant 2560 : i32
      %mul3A_153 = arith.muli %min3A_151, %mul3A_152 : i32
      %dma_start3A_154 = tpu.memref_slice %arg5[%mul3A_153] : memref<6400000xf32, #tpu.memory_space<hbm>> -> memref<2560xf32, #tpu.memory_space<hbm>>
      %dma_start3A_155 = tpu.memref_slice %arg5[%mul3A_153] : memref<6400000xf32, #tpu.memory_space<hbm>> -> memref<2560xf32, #tpu.memory_space<hbm>>
      tpu.enqueue_dma source(%arg13 : memref<2560xf32, #tpu.memory_space<vmem>>) target(%dma_start3A_155 : memref<2560xf32, #tpu.memory_space<hbm>>) target_semaphore(%arg19 : memref<!tpu.dma_semaphore, #tpu.memory_space<semaphore_mem>>)
      %dma_start3A_156 = arith.constant 0 : i32
      %dma_start3A_157 = tpu.memref_slice %arg4[%dma_start3A_156, %mul3A_153] : memref<2x6400000xi32, #tpu.memory_space<hbm>> -> memref<2x2560xi32, #tpu.memory_space<hbm>>
      %dma_start3A_158 = arith.constant 0 : i32
      %dma_start3A_159 = tpu.memref_slice %arg4[%dma_start3A_158, %mul3A_153] : memref<2x6400000xi32, #tpu.memory_space<hbm>> -> memref<2x2560xi32, #tpu.memory_space<hbm>>
      tpu.enqueue_dma source(%arg10 : memref<2x2560xi32, #tpu.memory_space<vmem>>) target(%dma_start3A_159 : memref<2x2560xi32, #tpu.memory_space<hbm>>) target_semaphore(%arg22 : memref<!tpu.dma_semaphore, #tpu.memory_space<semaphore_mem>>)
      %sub3A_160 = arith.constant 1 : i32
      %sub3A_161 = arith.subi %add3A_132, %sub3A_160 : i32
      %ge3A_162 = arith.constant 0 : i32
      %ge3A_163 = arith.cmpi sge, %sub3A_161, %ge3A_162 : i32
      %convert_element_type3A_164 = arith.extui %ge3A_163 : i1 to i32
      %cond3A_165 = arith.constant 0 : i32
      %cond3A_166 = arith.cmpi ne, %convert_element_type3A_164, %cond3A_165 : i32
      scf.if %cond3A_166 {
        %mul3A_174 = arith.constant 32 : i32
        %mul3A_175 = arith.muli %sub3A_161, %mul3A_174 : i32
        %add3A_176 = arith.addi %add3A, %mul3A_175 : i32
        %min3A_177 = arith.constant 2499 : i32
        %min3A_178 = arith.minsi %add3A_176, %min3A_177 : i32
        %mul3A_179 = arith.constant 2560 : i32
        %mul3A_180 = arith.muli %min3A_178, %mul3A_179 : i32
        %dma_wait3A_181 = tpu.memref_slice %arg5[%mul3A_180] : memref<6400000xf32, #tpu.memory_space<hbm>> -> memref<2560xf32, #tpu.memory_space<hbm>>
        %dma_wait3A_182 = tpu.memref_slice %arg5[%mul3A_180] : memref<6400000xf32, #tpu.memory_space<hbm>> -> memref<2560xf32, #tpu.memory_space<hbm>>
        tpu.wait_dma2 semaphore(%arg18 : memref<!tpu.dma_semaphore, #tpu.memory_space<semaphore_mem>>) src(%arg12 : memref<2560xf32, #tpu.memory_space<vmem>>) dst(%dma_wait3A_182 : memref<2560xf32, #tpu.memory_space<hbm>>)
        %dma_wait3A_183 = arith.constant 0 : i32
        %dma_wait3A_184 = tpu.memref_slice %arg4[%dma_wait3A_183, %mul3A_180] : memref<2x6400000xi32, #tpu.memory_space<hbm>> -> memref<2x2560xi32, #tpu.memory_space<hbm>>
        %dma_wait3A_185 = arith.constant 0 : i32
        %dma_wait3A_186 = tpu.memref_slice %arg4[%dma_wait3A_185, %mul3A_180] : memref<2x6400000xi32, #tpu.memory_space<hbm>> -> memref<2x2560xi32, #tpu.memory_space<hbm>>
        tpu.wait_dma2 semaphore(%arg21 : memref<!tpu.dma_semaphore, #tpu.memory_space<semaphore_mem>>) src(%arg9 : memref<2x2560xi32, #tpu.memory_space<vmem>>) dst(%dma_wait3A_186 : memref<2x2560xi32, #tpu.memory_space<hbm>>)
      } else {
      }
      %add3A_167 = arith.constant 2 : i32
      %add3A_168 = arith.addi %add3A_132, %add3A_167 : i32
      %lt3A_169 = arith.constant 81 : i32
      %lt3A_170 = arith.cmpi slt, %add3A_168, %lt3A_169 : i32
      %convert_element_type3A_171 = arith.extui %lt3A_170 : i1 to i32
      %cond3A_172 = arith.constant 0 : i32
      %cond3A_173 = arith.cmpi ne, %convert_element_type3A_171, %cond3A_172 : i32
      scf.if %cond3A_173 {
        %add3A_174 = arith.constant 2 : i32
        %add3A_175 = arith.addi %add3A_132, %add3A_174 : i32
        %mul3A_176 = arith.constant 32 : i32
        %mul3A_177 = arith.muli %add3A_175, %mul3A_176 : i32
        %add3A_178 = arith.addi %add3A, %mul3A_177 : i32
        %min3A_179 = arith.constant 2499 : i32
        %min3A_180 = arith.minsi %add3A_178, %min3A_179 : i32
        %mul3A_181 = arith.constant 2560 : i32
        %mul3A_182 = arith.muli %min3A_180, %mul3A_181 : i32
        %dma_start3A_183 = arith.constant 0 : i32
        %dma_start3A_184 = tpu.memref_slice %arg2[%dma_start3A_183, %mul3A_182] : memref<2x6400000xi32, #tpu.memory_space<hbm>> -> memref<2x2560xi32, #tpu.memory_space<hbm>>
        %dma_start3A_185 = arith.constant 0 : i32
        %dma_start3A_186 = tpu.memref_slice %arg2[%dma_start3A_185, %mul3A_182] : memref<2x6400000xi32, #tpu.memory_space<hbm>> -> memref<2x2560xi32, #tpu.memory_space<hbm>>
        tpu.enqueue_dma source(%dma_start3A_186 : memref<2x2560xi32, #tpu.memory_space<hbm>>) target(%arg9 : memref<2x2560xi32, #tpu.memory_space<vmem>>) target_semaphore(%arg15 : memref<!tpu.dma_semaphore, #tpu.memory_space<semaphore_mem>>)
      } else {
      }
    }
    %scan3A_30 = arith.constant 27 : i32
    %add3A_31 = arith.constant 2560 : i32
    %add3A_32 = arith.addi %add3A, %add3A_31 : i32
    %min3A_33 = arith.constant 2499 : i32
    %min3A_34 = arith.minsi %add3A_32, %min3A_33 : i32
    %mul3A_35 = arith.constant 2560 : i32
    %mul3A_36 = arith.muli %min3A_34, %mul3A_35 : i32
    %dma_wait3A = tpu.memref_slice %arg5[%mul3A_36] : memref<6400000xf32, #tpu.memory_space<hbm>> -> memref<2560xf32, #tpu.memory_space<hbm>>
    %dma_wait3A_37 = tpu.memref_slice %arg5[%mul3A_36] : memref<6400000xf32, #tpu.memory_space<hbm>> -> memref<2560xf32, #tpu.memory_space<hbm>>
    tpu.wait_dma2 semaphore(%arg19 : memref<!tpu.dma_semaphore, #tpu.memory_space<semaphore_mem>>) src(%arg13 : memref<2560xf32, #tpu.memory_space<vmem>>) dst(%dma_wait3A_37 : memref<2560xf32, #tpu.memory_space<hbm>>)
    %dma_wait3A_38 = arith.constant 0 : i32
    %dma_wait3A_39 = tpu.memref_slice %arg4[%dma_wait3A_38, %mul3A_36] : memref<2x6400000xi32, #tpu.memory_space<hbm>> -> memref<2x2560xi32, #tpu.memory_space<hbm>>
    %dma_wait3A_40 = arith.constant 0 : i32
    %dma_wait3A_41 = tpu.memref_slice %arg4[%dma_wait3A_40, %mul3A_36] : memref<2x6400000xi32, #tpu.memory_space<hbm>> -> memref<2x2560xi32, #tpu.memory_space<hbm>>
    tpu.wait_dma2 semaphore(%arg22 : memref<!tpu.dma_semaphore, #tpu.memory_space<semaphore_mem>>) src(%arg10 : memref<2x2560xi32, #tpu.memory_space<vmem>>) dst(%dma_wait3A_41 : memref<2x2560xi32, #tpu.memory_space<hbm>>)
    return
  }
}

</mosaic_0001>

<sc_bundles>
// kernel: kernel.3.cloned.1.call-start
scs
__scs_entry_jumppad:
0x0: {  	(pc) =	sbr.rel $0x88, $3  }
0x1: {  	(tag) =	ssettag $0x0;
	lr =	simm.s32 $0x1  }
0x2: {  	[smem:$0x3F9F] =	sst lr;
	_ =	strace $0xD0000000  }
0x3: {  	_ = 	snop  }
0x4: {  	_ = 	snop  }
0x5: {  	_ = 	snop  }
0x6: {  	_ = 	snop  }
0x7: {  	_ = 	snop  }
__scs_overlays_trampoline_lowered:
0x8: {  	[smem:$0x3FAE] =	sst s0  }
0x9: {  	[smem:$0x3FAF] =	sst s1  }
0xa: {  	[smem:$0x3FB0] =	sst s2  }
0xb: {  	[smem:$0x3FB1] =	sst s3  }
0xc: {  	[smem:$0x3FB2] =	sst s4  }
0xd: {  	[smem:$0x3FB3] =	sst s5  }
0xe: {  	[smem:$0x3FB4] =	sst s6  }
0xf: {  	[smem:$0x3FB5] =	sst s7  }
0x10: {  	[smem:$0x3FB6] =	sst s8  }
0x11: {  	[smem:$0x3FB7] =	sst s9;
	s0 =	simm.s32 @!p0 $0x0  }
0x12: {  	s1 =	sld [smem:$0x3F9D];
	s0 =	simm.s32 @p0 $0x1  }
0x13: {  	[smem:$0x3FB8] =	sst s0;
	s0 =	simm.s32 @!p1 $0x0  }
0x14: {  	s2 =	sld [smem:$0x3F9C];
	s0 =	simm.s32 @p1 $0x1  }
0x15: {  	[smem:$0x3FB9] =	sst s0;
	s0 =	simm.s32 @!p2 $0x0  }
0x16: {  	s3 =	sld [smem:$0x3FDB];
	s0 =	simm.s32 @p2 $0x1  }
0x17: {  	s4 =	simm.s32 $0x1BF5;
	[smem:$0x3FBB] =	sst s0  }
0x18: {  	s0 =	sld [smem:$0x3F9E];
	_ =	swait.ge [sflag:s4], $0x0  }
0x19: {  	s7 =	sld [smem:$0x3F9F]  }
0x1a: {  	s8 =	sadd.s32 $0xFFFFE003, lr  }
0x1b: {  	s9 =	sadd.s32 $0xFFFFFEF7, lr;
	s5 =	simm.s32 $0xFFFFFFFF;
	p2 =	slt.u32 s8, $0xFFFFF086  }
0x1c: {  	p1 =	slt.u32 s9, $0xF7A;
	s5 =	simm.s32 @!p2 $0x0  }
0x1d: {  	s5 =	simm.s32 @p1 $0x1;
	p0 =	seq.s32 s7, s2  }
0x1e: {  	s7 =	smul.u32 @!p0 $0xF7A, s2;
	p2 =	seq.s32 @!p0 s5, $0x0  }
0x1f: {  	s9 =	smul.u32 $0xF7A, s1;
	s8 =	simm.s32 @!p0 $0x1BF5;
	p2 =	por !p2, p0  }
0x20: {  	[sflag:s8] =	ssyncset.s32 @!p0 $0xFFFFF086;
	s6 =	sadd.s32 @!p0 s3, s7;
	s7 =	simm.s32 @!p0 $0x108  }
0x21: {  	s3 =	sadd.s32 s3, s9;
	s6 =	sadd.s32 @!p0 $0x88, s6;
	s7 =	simm.s32 @p2 $0x1082  }
0x22: {  	[simem:s7], [sflag:s8] =	dma.local @!p0 [hbm:s6], $0xF7A  }
0x23: {  	s9 =	sor.u32 $0xD0000000, s2;
	s6 =	simm.s32 $0x108;
	_ =	swait.ge @!p0 [sflag:s8], $0x0  }
0x24: {  	s3 =	sadd.s32 $0x88, s3;
	s6 =	simm.s32 @!p1 $0x1082;
	[sflag:s4] =	ssyncset.s32 $0xFFFFF086  }
0x25: {  	[simem:s6], [sflag:s4] =	dma.local [hbm:s3], $0xF7A  }
0x26: {  	[smem:$0x3F9F] =	sst s1;
	(tag) =	ssettag s2;
	_ =	strace s9  }
0x27: {  	s1 =	sld [smem:$0x3FAF]  }
0x28: {  	s2 =	sld [smem:$0x3FB0]  }
0x29: {  	s4 =	sld [smem:$0x3FB2]  }
0x2a: {  	p0 =	seq.s32 s5, $0x0;
	s5 =	sld [smem:$0x3FB3]  }
0x2b: {  	s6 =	sld [smem:$0x3FB4]  }
0x2c: {  	s7 =	sld [smem:$0x3FB5]  }
0x2d: {  	s3 =	simm.s32 $0x108;
	s8 =	sld [smem:$0x3FB6]  }
0x2e: {  	s3 =	simm.s32 @!p0 $0x1082;
	s9 =	sld [smem:$0x3FB7]  }
0x2f: {  	lr =	sadd.s32 s0, s3;
	s0 =	sld [smem:$0x3FAE]  }
0x30: {  	s3 =	sld [smem:$0x3FB1]  }
0x31: {  	[smem:$0x3FBA] =	sst s10  }
0x32: {  	s10 =	sld [smem:$0x3FB8];
	_ =	sdelay $0x3  }
0x33: {  	p0 =	seq.s32 s10, $0x1;
	s10 =	sld [smem:$0x3FBA];
	_ =	sdelay $0x3  }
0x34: {  	[smem:$0x3FBA] =	sst s10  }
0x35: {  	s10 =	sld [smem:$0x3FB9];
	_ =	sdelay $0x3  }
0x36: {  	p1 =	seq.s32 s10, $0x1;
	s10 =	sld [smem:$0x3FBA];
	_ =	sdelay $0x3  }
0x37: {  	[smem:$0x3FBA] =	sst s10  }
0x38: {  	s10 =	sld [smem:$0x3FBB]  }
0x39: {  	_ = 	snop;
	(pc) =	sbr.ind lr, $3  }
0x3a: {  	_ = 	snop  }
0x3b: {  	_ = 	snop  }
0x3c: {  	p2 =	seq.s32 s10, $0x1;
	s10 =	sld [smem:$0x3FBA]  }
0x3d: {  	_ =	shalt  }
0x3e: {  	_ =	shalt  }
0x3f: {  	_ =	shalt  }
0x40: {  	_ =	shalt  }
0x41: {  	_ =	shalt  }
0x42: {  	_ =	shalt  }
0x43: {  	_ =	shalt  }
0x44: {  	_ =	shalt  }
0x45: {  	_ =	shalt  }
0x46: {  	_ =	shalt  }
0x47: {  	_ =	shalt  }
0x48: {  	_ =	shalt  }
0x49: {  	_ =	shalt  }
0x4a: {  	_ =	shalt  }
0x4b: {  	_ =	shalt  }
0x4c: {  	_ =	shalt  }
0x4d: {  	_ =	shalt  }
0x4e: {  	_ =	shalt  }
0x4f: {  	_ =	shalt  }
0x50: {  	_ =	shalt  }
0x51: {  	_ =	shalt  }
0x52: {  	_ =	shalt  }
0x53: {  	_ =	shalt  }
0x54: {  	_ =	shalt  }
0x55: {  	_ =	shalt  }
0x56: {  	_ =	shalt  }
0x57: {  	_ =	shalt  }
0x58: {  	_ =	shalt  }
0x59: {  	_ =	shalt  }
0x5a: {  	_ =	shalt  }
0x5b: {  	_ =	shalt  }
0x5c: {  	_ =	shalt  }
0x5d: {  	_ =	shalt  }
0x5e: {  	_ =	shalt  }
0x5f: {  	_ =	shalt  }
0x60: {  	_ =	shalt  }
0x61: {  	_ =	shalt  }
0x62: {  	_ =	shalt  }
0x63: {  	_ =	shalt  }
0x64: {  	_ =	shalt  }
0x65: {  	_ =	shalt  }
0x66: {  	_ =	shalt  }
0x67: {  	_ =	shalt  }
0x68: {  	_ =	shalt  }
0x69: {  	_ =	shalt  }
0x6a: {  	_ =	shalt  }
0x6b: {  	_ =	shalt  }
0x6c: {  	_ =	shalt  }
0x6d: {  	_ =	shalt  }
0x6e: {  	_ =	shalt  }
0x6f: {  	_ =	shalt  }
0x70: {  	_ =	shalt  }
0x71: {  	_ =	shalt  }
0x72: {  	_ =	shalt  }
0x73: {  	_ =	shalt  }
0x74: {  	_ =	shalt  }
0x75: {  	_ =	shalt  }
0x76: {  	_ =	shalt  }
0x77: {  	_ =	shalt  }
0x78: {  	_ =	shalt  }
0x79: {  	_ =	shalt  }
0x7a: {  	_ =	shalt  }
0x7b: {  	_ =	shalt  }
0x7c: {  	_ =	shalt  }
0x7d: {  	_ =	shalt  }
0x7e: {  	_ =	shalt  }
0x7f: {  	_ =	shalt  }
0x80: {  	_ =	shalt  }
0x81: {  	_ =	shalt  }
0x82: {  	_ =	shalt  }
0x83: {  	_ =	shalt  }
0x84: {  	_ =	shalt  }
0x85: {  	_ =	shalt  }
0x86: {  	_ =	shalt  }
0x87: {  	_ =	shalt  }
.Lfunc_end0:
.L_simem_size_0:
called_computation_lowered:
.L_overlay_start_0:
0x88: {  	s2 =	sld [smem:$0x3FD9]  }
0x89: {  	s3 =	sld [smem:$0x3FFE];
	_ =	sdelay $0x1  }
0x8a: {  	s1 =	srdreg.scid  }
0x8b: {  	s0 =	sand.u32 $0x1, s1  }
0x8c: {  	s15 =	sshll.u32 s0, $0xA;
	s2 =	sadd.s32 s3, s2  }
0x8d: {  	s2 =	sadd.s32 s2, s15  }
0x8e: {  	[smem:$0x3FC6] =	sst s2  }
0x8f: {  	_ = 	snop  }
0x90: {  	s2 =	sld [smem:$0x3FD0];
	_ =	sdelay $0x1  }
0x91: {  	s16 =	sld [smem:$0x3FC9]  }
0x92: {  	s5 =	simm.s32 $0xA;
	s6 =	simm.s32 $0x10;
	s4 =	sld [smem:$0x3FC8]  }
0x93: {  	[smem:s6], [sflag:s5] =	dma.local [hbm:s2], $0x1  }
0x94: {  	_ =	swait.eq [sflag:s5], $0x1  }
0x95: {  	[sflag:s5] =	ssyncset.done $0x0  }
0x96: {  	s17 =	sld [smem:$0x10];
	[sflag:s5] =	ssyncadd.s32 $0xFFFFFFFF  }
0x97: {  	s18 =	sld [smem:$0x11];
	(tm) =	ssettm $0x1  }
0x98: {  	s19 =	sld [smem:$0x3FFB];
	_ =	sdelay $0x3  }
0x99: {  	_ =	strace s19  }
0x9a: {  	s6 =	sld [smem:$0x3FFC];
	_ =	sdelay $0x3  }
0x9b: {  	_ =	strace s6  }
0x9c: {  	s6 =	sld [smem:$0x3FFD];
	_ =	sdelay $0x3  }
0x9d: {  	_ =	strace s6  }
0x9e: {  	_ =	strace $0x8FFFFFFF  }
0x9f: {  	s20 =	sld [smem:$0x3FDB];
	_ =	sdelay $0x1  }
0xa0: {  	s7 =	simm.s32 $_scs_section_size  }
0xa1: {  	s8 =	simm.s32 $_size__tile_overlayer_lowered;
	s9 =	simm.s32 $_tile_overlayer_lowered  }
0xa2: {  	s23 =	simm.s32 $0x1BFF;
	s22 =	sshll.u32 s9, $0x1;
	s6 =	sadd.s32 s7, s20  }
0xa3: {  	s10 =	simm.s32 $0x0;
	s21 =	sshll.u32 s8, $0x1;
	s8 =	sadd.s32 s22, s6  }
0xa4: {  	[timem:s10], [sflag:s23] =	dma.local [hbm:s8], s21  }
0xa5: {  	_ =	swait.ge [sflag:s23], s21  }
0xa6: {  	s7 =	ssub.s32 $0x0, s21;
	[sflag:s23] =	ssyncset.done $0x0  }
0xa7: {  	[sflag:s23] =	ssyncadd.s32 s7;
	_ =	sdelay $0x1  }
0xa8: {  	s24 =	simm.s32 $0x1B8B  }
0xa9: {  	_ =	swait.ge [sflag:s24], $0x1  }
0xaa: {  	[sflag:s24] =	ssyncset.done $0x0  }
0xab: {  	s25 =	simm.s32 $0x1B8E;
	[sflag:s24] =	ssyncadd.s32 $0xFFFFFFFF  }
0xac: {  	s26 =	simm.s32 $execute0_lowered;
	[smem:$0x3FD2] =	sst s25  }
0xad: {  	s7 =	sshll.u32 s26, $0x1;
	_ =	strace $0x80000046;
	[dreg:$0x1] =	wrdreg $0xFFFFFFFF  }
0xae: {  	s28 =	simm.s32 $_size_execute0_lowered;
	s6 =	sadd.s32 s6, s7;
	[dreg:$0x0] =	wrdreg $0x0  }
0xaf: {  	s7 =	sshll.u32 s28, $0x1;
	[dreg:$0x2] =	wrdreg s6  }
0xb0: {  	[dreg:$0x3] =	wrdreg s7  }
0xb1: {  	[dreg:$0x4] =	wrdreg $0xC0  }
0xb2: {  	_ =	task [dreg:s10], $0x5FFFF  }
0xb3: {  	[dreg:$0x1] =	wrdreg $0xFFFFFFFF  }
0xb4: {  	[dreg:$0x0] =	wrdreg $0x60  }
0xb5: {  	[dreg:$0x2] =	wrdreg s16  }
0xb6: {  	[dreg:$0x3] =	wrdreg s4  }
0xb7: {  	[dreg:$0x4] =	wrdreg s17  }
0xb8: {  	[dreg:$0x5] =	wrdreg s18  }
0xb9: {  	[dreg:$0x6] =	wrdreg $0x0  }
0xba: {  	[dreg:$0x7] =	wrdreg $0x9  }
0xbb: {  	_ =	task.clear_ibuf [dreg:s10], $0x8FFFF;
	_ =	strace $0x90000046  }
0xbc: {  	s29 =	simm.s32 $0x9;
	_ =	strace $0x80000048  }
0xbd: {  	_ =	swait.ge [sflag:s29], $0x1  }
0xbe: {  	[sflag:s29] =	ssyncadd.s32 $0xFFFFFFFF  }
0xbf: {  	_ =	strace $0x90000048  }
0xc0: {  	_ =	sfence  }
0xc1: {  	s30 =	sld [smem:$0x0];
	_ =	sdelay $0x2  }
0xc2: {  	s31 =	sshll.u32 s1, $0xD;
	s1 =	sshrl.u32 s1, $0x2  }
0xc3: {  	s3 =	sand.u32 $0x4000, s31;
	s1 =	sadd.s32 s1, s30  }
0xc4: {  	s0 =	sor.u32 s3, s0;
	s1 =	sshll.u32 s1, $0x11  }
0xc5: {  	s0 =	sor.u32 s1, s0  }
0xc6: {  	s0 =	sadd.s32 $0x8F2B, s0  }
0xc7: {  	[sflag:s0] =	ssyncadd.remote.s32 $0x1  }
0xc8: {  	_ =	sfence.sel $0xFFFF  }
0xc9: {  	[dreg:$0x0] =	wrdreg $0xFFFFFFFF;
	(pc) =	sbr.abs _section_cstart, $3  }
0xca: {  	[dreg:$0x1] =	wrdreg $0xFFFFFFFF  }
0xcb: {  	_ =	task.clear_ibuf [dreg:s10], $0x2FFFF;
	_ =	strace $0x9FFFFFFF  }
0xcc: {  	(tm) =	ssettm $0x7FFFFFFF  }
0xcd: {  	_ =	shalt  }
tec
execute0_lowered:
.L_overlay_start_1:
0x0: {  	(tag) =	ssettag $0x1  }
0x1: {  	s0 =	rddreg [dreg:$0x0]  }
0x2: {  	s2 =	rddreg [dreg:$0x2]  }
0x3: {  	s1 =	srdreg.scid;
	s4 =	rddreg [dreg:$0x3]  }
0x4: {  	s3 =	stileid.u32;
	s14 =	rddreg [dreg:$0x4]  }
0x5: {  	s7 =	simm.s32 $0x0;
	s16 =	simm.s32 $0x1870;
	s18 =	simm.s32 $0x1  }
0x6: {  	s19 =	simm.s32 $0x1DB70;
	s20 =	simm.s32 $0x19F70;
	s21 =	simm.s32 $0x1C770  }
0x7: {  	s22 =	simm.s32 $0x2;
	s23 =	simm.s32 $0x1E570;
	s24 =	simm.s32 $0x1B370  }
0x8: {  	s25 =	simm.s32 $0x4;
	s28 =	simm.s32 $0x3;
	s29 =	simm.s32 $0x1EF70  }
0x9: {  	s30 =	simm.s32 $0x5;
	s1 =	sand.u32 $0x1, s1;
	s5 =	sshll.u32 s3, $0x1  }
0xa: {  	s31 =	simm.s32 $0x8;
	[smem:$0x7FF] =	sst s7;
	s6 =	sor.u32 s1, s5  }
0xb: {  	p0 =	sne.s32 s3, $0x0;
	s1 =	ssub.s32 $0x2, s1;
	s5 =	smul.u32 $0x1400, s6  }
0xc: {  	_ =	strace $0x80000047;
	s8 =	sshrl.u32 s1, $0x1;
	s9 =	smul.u32 $0x280, s6  }
0xd: {  	s10 =	sor.u32 $0x40, s6;
	s11 =	sor.u32 $0x20, s6;
	s12 =	sor.u32 $0x60, s6  }
.Ltmp0:
0xe: {  	s1 =	ssub.s32 s1, s8;
	s26 =	sadd.s32 s0, s9;
	(pc) =	sbr.rel .LBB2_1-.Ltmp0, $4  }
0xf: {  	s5 =	sshrl.u32 s5, $0x3;
	s1 =	smax.u32 s1, $0x1;
	[dreg:$0x6] =	wrdreg s26  }
0x10: {  	s5 =	sadd.s32 s0, s5;
	[dreg:$0x8] =	wrdreg s1;
	s1 =	sshrl.u32 @!p0 s14, $0x3  }
0x11: {  	s13 =	sor.u32 $0x80, s6;
	s5 =	sadd.s32 $0x5000, s5;
	[dreg:$0x9] =	wrdreg s1  }
0x12: {  	s26 =	simm.s32 $0x7;
	[dreg:$0x7] =	wrdreg s5;
	s5 =	simm.s32 $0x0  }
.LBB2_10:
0x13: {  	s1 =	simm.s32 $0x6  }
0x14: {  	_ =	swait.ge [sflag:s1], $0xA00  }
0x15: {  	[sflag:s1] =	ssyncset.done $0x0  }
0x16: {  	s3 =	simm.s32 $0x9;
	[sflag:s1] =	ssyncadd.s32 $0xFFFFF600  }
0x17: {  	_ =	swait.ge [sflag:s3], $0x1400  }
0x18: {  	s5 =	sadd.s32 $0x1, s5;
	s17 =	rddreg [dreg:$0x8]  }
0x19: {  	p1 =	sne.s32 s5, s17  }
.Ltmp1:
0x1a: {  	_ = 	snop;
	(pc) =	sbr.rel @!p1 .LBB2_11-.Ltmp1, $3  }
0x1b: {  	_ =	sdelay $0x1  }
0x1c: {  	[sflag:s3] =	ssyncset.done $0x0  }
0x1d: {  	[sflag:s3] =	ssyncadd.s32 $0xFFFFEC00  }
.LBB2_1:
0x1e: {  	s8 =	rddreg [dreg:$0x6]  }
0x1f: {  	s1 =	simm.s32 @p0 $0x0;
	s3 =	simm.s32 @p0 $0x19F70;
	s9 =	rddreg [dreg:$0x7]  }
0x20: {  	[tilespmem:s3], [sflag:$0x1] =	stream.linear.gather @p0 [hbm4b:s8+s1], $0x1400, $0x38;
	[tilespmem:$0x1F970] =	vst v63  }
0x21: {  	s14 =	rddreg [dreg:$0x9];
	s3 =	simm.s32 @p0 $0x1B370  }
0x22: {  	[tilespmem:s3], [sflag:$0x2] =	stream.linear.gather @p0 [hbm4b:s9+s1], $0x1400, $0x38;
	[tilespmem:$0x1F970] =	vst v63  }
0x23: {  	s1 =	simm.s32 @!p0 $0x1C0A;
	s3 =	rddreg [dreg:$0x1]  }
0x24: {  	[spmem:s14], [sflag:s1] =	dma.local @!p0 [hbm:s3], $0x30E0  }
0x25: {  	s1 =	simm.s32 @!p0 $0x0;
	s3 =	simm.s32 @!p0 $0x19F70  }
0x26: {  	[tilespmem:s3], [sflag:$0x1] =	stream.linear.gather @!p0 [hbm4b:s8+s1], $0x1400, $0x38;
	[tilespmem:$0x1F970] =	vst v63  }
0x27: {  	s3 =	simm.s32 @!p0 $0x1B370  }
0x28: {  	[tilespmem:s3], [sflag:$0x2] =	stream.linear.gather @!p0 [hbm4b:s9+s1], $0x1400, $0x38;
	[tilespmem:$0x1F970] =	vst v63  }
0x29: {  	s1 =	simm.s32 @!p0 $0xA  }
0x2a: {  	_ =	swait.ge @!p0 [sflag:s1], $0x30E0  }
0x2b: {  	[sflag:s1] =	ssyncset.done @!p0 $0x0  }
0x2c: {  	[sflag:s1] =	ssyncadd.s32 @!p0 $0xFFFFCF20  }
0x2d: {  	[bflag:$0x0] =	sbarrier.arrive $0xFFFF  }
0x2e: {  	s17 =	simm.s32 $0xB;
	s15 =	rddreg [dreg:$0x4]  }
0x2f: {  	[tilespmem:s16], [sflag:$0xB] =	stream.linear.gather [spmem:s15], $0x18700, $0x38;
	[tilespmem:$0x1F970] =	vst v63  }
0x30: {  	_ =	swait.ge [sflag:s17], $0x18700  }
0x31: {  	[sflag:s17] =	ssyncset.done $0x0  }
0x32: {  	s14 =	simm.s32 $0x0;
	[sflag:s17] =	ssyncadd.s32 $0xFFFE7900  }
.LBB2_2:
0x33: {  	_ =	swait.ge [sflag:s18], $0x1400  }
0x34: {  	[sflag:s18] =	ssyncset.done $0x0  }
0x35: {  	s1 =	simm.s32 $0x19FF0;
	[sflag:s18] =	ssyncadd.s32 $0xFFFFEC00  }
0x36: {  	v0 =	vld [tilespmem:s1+$0xFFFFFFF0]  }
0x37: {  	v1 =	vld [tilespmem:s1+$0x70]  }
0x38: {  	v2 =	vld [tilespmem:s1+$0x0]  }
0x39: {  	v3 =	vld [tilespmem:s1+$0xFFFFFF90]  }
0x3a: {  	v4 =	vld [tilespmem:s1+$0x10]  }
0x3b: {  	v5 =	vld [tilespmem:s1+$0xFFFFFFA0]  }
0x3c: {  	v6 =	vld [tilespmem:s1+$0x20]  }
0x3d: {  	v7 =	vld [tilespmem:s1+$0xFFFFFFB0]  }
0x3e: {  	v8 =	vld [tilespmem:s1+$0x30]  }
0x3f: {  	v0 =	vld.idx.msk [tilespmem:v0+s16+$0x0], $0xffff  }
0x40: {  	v1 =	vld.idx.msk [tilespmem:v1+s16+$0x0], $0xffff  }
0x41: {  	v9 =	vld [tilespmem:s1+$0xFFFFFFC0]  }
0x42: {  	v10 =	vld [tilespmem:s1+$0x40]  }
0x43: {  	v11 =	vld [tilespmem:s1+$0xFFFFFFD0]  }
0x44: {  	v12 =	vld [tilespmem:s1+$0x50]  }
0x45: {  	v14 =	vld [tilespmem:s1+$0x60];
	v0 =	vsub.f32 v0, v1  }
0x46: {  	v15 =	vld.idx.msk [tilespmem:v2+s16+$0x0], $0xffff  }
0x47: {  	v2 =	vld.idx.msk [tilespmem:v3+s16+$0x0], $0xffff;
	v0 =	vand.u32 $0x7FFFFFFF, v0  }
0x48: {  	v1 =	vld [tilespmem:s1+$0xFFFFFF80];
	v0 =	vsub.f32 $0.0e+00, v0  }
0x49: {  	v3 =	vld.idx.msk [tilespmem:v4+s16+$0x0], $0xffff  }
0x4a: {  	v5 =	vld.idx.msk [tilespmem:v5+s16+$0x0], $0xffff;
	v0 =	vmul.f32 $1.442695020e+00, v0  }
0x4b: {  	v6 =	vld.idx.msk [tilespmem:v6+s16+$0x0], $0xffff  }
0x4c: {  	v13 =	vld [tilespmem:s1+$0xFFFFFFE0];
	(erf) = vpow2.f32 v0  }
0x4d: {  	v7 =	vld.idx.msk [tilespmem:v7+s16+$0x0], $0xffff  }
0x4e: {  	v8 =	vld.idx.msk [tilespmem:v8+s16+$0x0], $0xffff;
	v0 =	vsub.f32 v2, v3  }
0x4f: {  	v4 =	vld.idx.msk [tilespmem:v10+s16+$0x0], $0xffff  }
0x50: {  	v5 =	vsub.f32 v5, v6;
	v16 =	vld.idx.msk [tilespmem:v1+s16+$0x0], $0xffff;
	v1 =	vand.u32 $0x7FFFFFFF, v0  }
0x51: {  	v2 =	vld.idx.msk [tilespmem:v9+s16+$0x0], $0xffff;
	v6 =	vsub.f32 $0.0e+00, v1  }
0x52: {  	v5 =	vand.u32 $0x7FFFFFFF, v5;
	v3 =	vld.idx.msk [tilespmem:v12+s16+$0x0], $0xffff  }
0x53: {  	v9 =	vsub.f32 v7, v8;
	v8 =	vsub.f32 $0.0e+00, v5;
	v5 =	vld.idx.msk [tilespmem:v14+s16+$0x0], $0xffff  }
0x54: {  	v0 =	vld.idx.msk [tilespmem:v11+s16+$0x0], $0xffff  }
0x55: {  	s3 =	simm.s32 $0x1DBB0;
	s8 =	simm.s32 $0x1A0F0;
	s1 =	simm.s32 $0x0;
	v1 =	vld.idx.msk [tilespmem:v13+s16+$0x0], $0xffff;
	v7 =	vmul.f32 $1.442695020e+00, v6;
	v10 =	vsub.f32 v16, v15;
	v6 =	vpop (erf)  }
.LBB2_3:
0x56: {  	v11 =	vld [tilespmem:s8+$0xFFFFFFF0];
	v9 =	vand.u32 $0x7FFFFFFF, v9;
	[tilespmem:s3+$0x30] =	vst v6  }
0x57: {  	s1 =	sadd.s32 $0x80, s1;
	v2 =	vsub.f32 v2, v4;
	v6 =	vld [tilespmem:s8+$0x70];
	v10 =	vand.u32 $0x7FFFFFFF, v10;
	v9 =	vsub.f32 $0.0e+00, v9  }
0x58: {  	p1 =	slt.u32 s1, $0x980;
	v8 =	vmul.f32 $1.442695020e+00, v8;
	v4 =	vld [tilespmem:s8+$0x0];
	v10 =	vsub.f32 $0.0e+00, v10;
	(erf) = vpow2.f32 v7  }
0x59: {  	v2 =	vand.u32 $0x7FFFFFFF, v2;
	v0 =	vsub.f32 v0, v3;
	v7 =	vld [tilespmem:s8+$0xFFFFFF90];
	v9 =	vmul.f32 $1.442695020e+00, v9  }
0x5a: {  	v2 =	vsub.f32 $0.0e+00, v2;
	v3 =	vld [tilespmem:s8+$0x10];
	v10 =	vmul.f32 $1.442695020e+00, v10;
	(erf) = vpow2.f32 v8  }
0x5b: {  	v0 =	vand.u32 $0x7FFFFFFF, v0;
	v1 =	vsub.f32 v1, v5;
	v8 =	vld [tilespmem:s8+$0xFFFFFFA0];
	(erf) = vpow2.f32 v9  }
0x5c: {  	v2 =	vmul.f32 $1.442695020e+00, v2;
	v0 =	vsub.f32 $0.0e+00, v0;
	v5 =	vld [tilespmem:s8+$0x20];
	(erf) = vpow2.f32 v10  }
0x5d: {  	v1 =	vand.u32 $0x7FFFFFFF, v1;
	v9 =	vld [tilespmem:s8+$0xFFFFFFB0]  }
0x5e: {  	v0 =	vmul.f32 $1.442695020e+00, v0;
	v1 =	vsub.f32 $0.0e+00, v1;
	v10 =	vld.idx.msk [tilespmem:v11+s16+$0x0], $0xffff;
	(erf) = vpow2.f32 v2  }
0x5f: {  	v2 =	vld.idx.msk [tilespmem:v6+s16+$0x0], $0xffff  }
0x60: {  	v1 =	vmul.f32 $1.442695020e+00, v1;
	v6 =	vld [tilespmem:s8+$0x30];
	(erf) = vpow2.f32 v0  }
0x61: {  	v0 =	vld [tilespmem:s8+$0xFFFFFFC0];
	v11 =	vpop (erf)  }
0x62: {  	v12 =	vld [tilespmem:s8+$0x40];
	[tilespmem:s3+$0xFFFFFFD0] =	vst v11;
	(erf) = vpow2.f32 v1  }
0x63: {  	v1 =	vld [tilespmem:s8+$0xFFFFFFD0];
	v11 =	vpop (erf)  }
0x64: {  	v13 =	vld [tilespmem:s8+$0x50];
	[tilespmem:s3+$0xFFFFFFE0] =	vst v11;
	v11 =	vpop (erf)  }
0x65: {  	v2 =	vsub.f32 v10, v2;
	v14 =	vld [tilespmem:s8+$0xFFFFFFE0];
	[tilespmem:s3+$0xFFFFFFF0] =	vst v11;
	v10 =	vpop (erf)  }
0x66: {  	v11 =	vld [tilespmem:s8+$0x60];
	[tilespmem:s3+$0xFFFFFFC0] =	vst v10  }
0x67: {  	v2 =	vand.u32 $0x7FFFFFFF, v2;
	v10 =	vld [tilespmem:s8+$0xFFFFFF80];
	v15 =	vpop (erf)  }
0x68: {  	v2 =	vsub.f32 $0.0e+00, v2;
	v16 =	vld.idx.msk [tilespmem:v4+s16+$0x0], $0xffff;
	[tilespmem:s3+$0x0] =	vst v15  }
0x69: {  	v4 =	vld.idx.msk [tilespmem:v7+s16+$0x0], $0xffff;
	v7 =	vpop (erf)  }
0x6a: {  	v2 =	vmul.f32 $1.442695020e+00, v2;
	v3 =	vld.idx.msk [tilespmem:v3+s16+$0x0], $0xffff;
	[tilespmem:s3+$0x10] =	vst v7  }
0x6b: {  	v7 =	vld.idx.msk [tilespmem:v8+s16+$0x0], $0xffff;
	v8 =	vpop (erf)  }
0x6c: {  	v5 =	vld.idx.msk [tilespmem:v5+s16+$0x0], $0xffff;
	(erf) = vpow2.f32 v2;
	[tilespmem:s3+$0x20] =	vst v8  }
0x6d: {  	v8 =	vld.idx.msk [tilespmem:v9+s16+$0x0], $0xffff  }
0x6e: {  	v6 =	vld.idx.msk [tilespmem:v6+s16+$0x0], $0xffff  }
0x6f: {  	v10 =	vld.idx.msk [tilespmem:v10+s16+$0x0], $0xffff  }
0x70: {  	v3 =	vsub.f32 v4, v3;
	v2 =	vld.idx.msk [tilespmem:v0+s16+$0x0], $0xffff  }
.Ltmp2:
0x71: {  	v4 =	vld.idx.msk [tilespmem:v12+s16+$0x0], $0xffff;
	(pc) =	sbr.rel @p1 .LBB2_3-.Ltmp2, $4  }
0x72: {  	v3 =	vand.u32 $0x7FFFFFFF, v3;
	v5 =	vsub.f32 v7, v5;
	v0 =	vld.idx.msk [tilespmem:v1+s16+$0x0], $0xffff  }
0x73: {  	v7 =	vsub.f32 $0.0e+00, v3;
	v3 =	vld.idx.msk [tilespmem:v13+s16+$0x0], $0xffff  }
0x74: {  	v5 =	vand.u32 $0x7FFFFFFF, v5;
	v9 =	vsub.f32 v8, v6;
	v1 =	vld.idx.msk [tilespmem:v14+s16+$0x0], $0xffff  }
0x75: {  	s8 =	sadd.s32 $0x100, s8;
	s3 =	sadd.s32 $0x80, s3;
	v10 =	vsub.f32 v10, v16;
	v7 =	vmul.f32 $1.442695020e+00, v7;
	v8 =	vsub.f32 $0.0e+00, v5;
	v5 =	vld.idx.msk [tilespmem:v11+s16+$0x0], $0xffff;
	v6 =	vpop (erf)  }
0x76: {  	_ = 	snop  }
0x77: {  	v9 =	vand.u32 $0x7FFFFFFF, v9;
	v2 =	vsub.f32 v2, v4  }
0x78: {  	v10 =	vand.u32 $0x7FFFFFFF, v10;
	v9 =	vsub.f32 $0.0e+00, v9;
	v8 =	vmul.f32 $1.442695020e+00, v8  }
0x79: {  	(erf) = vpow2.f32 v7;
	v4 =	vsub.f32 $0.0e+00, v10;
	v0 =	vsub.f32 v0, v3  }
0x7a: {  	v2 =	vand.u32 $0x7FFFFFFF, v2;
	v3 =	vmul.f32 $1.442695020e+00, v9;
	v1 =	vsub.f32 v1, v5  }
0x7b: {  	v2 =	vsub.f32 $0.0e+00, v2;
	(erf) = vpow2.f32 v8;
	v0 =	vand.u32 $0x7FFFFFFF, v0  }
0x7c: {  	v4 =	vmul.f32 $1.442695020e+00, v4;
	v0 =	vsub.f32 $0.0e+00, v0;
	v1 =	vand.u32 $0x7FFFFFFF, v1  }
0x7d: {  	(erf) = vpow2.f32 v3;
	v2 =	vmul.f32 $1.442695020e+00, v2;
	v1 =	vsub.f32 $0.0e+00, v1  }
0x7e: {  	(erf) = vpow2.f32 v4;
	v0 =	vmul.f32 $1.442695020e+00, v0  }
0x7f: {  	(erf) = vpow2.f32 v2;
	v1 =	vmul.f32 $1.442695020e+00, v1  }
0x80: {  	(erf) = vpow2.f32 v0  }
0x81: {  	(erf) = vpow2.f32 v1;
	_ =	sdelay $0x2  }
0x82: {  	[tilespmem:s3+$0x30] =	vst v6;
	s15 =	smul.u32 $0x60, s14;
	v0 =	vpop (erf)  }
0x83: {  	[tilespmem:s3+$0xFFFFFFD0] =	vst v0;
	v0 =	vpop (erf)  }
0x84: {  	s1 =	sor.u32 s6, s15;
	[tilespmem:s3+$0xFFFFFFE0] =	vst v0;
	v0 =	vpop (erf)  }
0x85: {  	p1 =	slt.s32 s1, $0x9C3;
	[tilespmem:s3+$0xFFFFFFF0] =	vst v0;
	v0 =	vpop (erf)  }
0x86: {  	s1 =	simm.s32 @!p1 $0x9C3;
	[tilespmem:s3+$0xFFFFFFC0] =	vst v0;
	v0 =	vpop (erf)  }
0x87: {  	s8 =	smul.u32 $0x140, s1;
	[tilespmem:s3+$0x0] =	vst v0;
	v0 =	vpop (erf)  }
0x88: {  	[tilespmem:s3+$0x10] =	vst v0;
	v0 =	vpop (erf)  }
0x89: {  	s1 =	smul.u32 $0x280, s1;
	s17 =	sadd.s32 s4, s8;
	[tilespmem:s3+$0x20] =	vst v0  }
0x8a: {  	[hbm4b:s17+s7] =	stream.linear.scatter [tilespmem:s19], [sflag:$0x4], $0xA00, $0x38;
	[tilespmem:$0x1F970] =	vst v63  }
0x8b: {  	p1 =	seq.s32 s14, $0x0;
	s1 =	sadd.s32 s2, s1  }
0x8c: {  	[hbm4b:s1+s7] =	stream.linear.scatter [tilespmem:s20], [sflag:$0x7], $0x1400, $0x38;
	[tilespmem:$0x1F970] =	vst v63  }
0x8d: {  	s1 =	simm.s32 @!p1 $0x6  }
0x8e: {  	s17 =	sadd.s32 s10, s15;
	_ =	swait.ge @!p1 [sflag:s1], $0xA00  }
0x8f: {  	p2 =	slt.s32 s17, $0x9C3;
	[sflag:s1] =	ssyncset.done @!p1 $0x0  }
0x90: {  	s17 =	simm.s32 @!p2 $0x9C3;
	[sflag:s1] =	ssyncadd.s32 @!p1 $0xFFFFF600;
	s1 =	simm.s32 @!p1 $0x9  }
0x91: {  	s3 =	smul.u32 $0x280, s17;
	_ =	swait.ge @!p1 [sflag:s1], $0x1400  }
0x92: {  	[sflag:s1] =	ssyncset.done @!p1 $0x0  }
0x93: {  	s8 =	sadd.s32 s0, s3;
	[sflag:s1] =	ssyncadd.s32 @!p1 $0xFFFFEC00  }
0x94: {  	[tilespmem:s21], [sflag:$0x3] =	stream.linear.gather [hbm4b:s8+s7], $0x1400, $0x38;
	[tilespmem:$0x1F970] =	vst v63  }
0x95: {  	_ =	swait.ge [sflag:s22], $0x1400  }
0x96: {  	[sflag:s22] =	ssyncset.done $0x0  }
0x97: {  	s9 =	simm.s32 $0x1B3F0;
	[sflag:s22] =	ssyncadd.s32 $0xFFFFEC00  }
0x98: {  	v0 =	vld [tilespmem:s9+$0xFFFFFFF0]  }
0x99: {  	v1 =	vld [tilespmem:s9+$0x70]  }
0x9a: {  	v2 =	vld [tilespmem:s9+$0x0]  }
0x9b: {  	v3 =	vld [tilespmem:s9+$0xFFFFFF90]  }
0x9c: {  	v4 =	vld [tilespmem:s9+$0x10]  }
0x9d: {  	v5 =	vld [tilespmem:s9+$0xFFFFFFA0]  }
0x9e: {  	v6 =	vld [tilespmem:s9+$0x20]  }
0x9f: {  	v7 =	vld [tilespmem:s9+$0xFFFFFFB0]  }
0xa0: {  	v8 =	vld [tilespmem:s9+$0x30]  }
0xa1: {  	v0 =	vld.idx.msk [tilespmem:v0+s16+$0x0], $0xffff  }
0xa2: {  	v1 =	vld.idx.msk [tilespmem:v1+s16+$0x0], $0xffff  }
0xa3: {  	v9 =	vld [tilespmem:s9+$0xFFFFFFC0]  }
0xa4: {  	v10 =	vld [tilespmem:s9+$0x40]  }
0xa5: {  	v11 =	vld [tilespmem:s9+$0xFFFFFFD0]  }
0xa6: {  	v12 =	vld [tilespmem:s9+$0x50]  }
0xa7: {  	v14 =	vld [tilespmem:s9+$0x60];
	v0 =	vsub.f32 v0, v1  }
0xa8: {  	v15 =	vld.idx.msk [tilespmem:v2+s16+$0x0], $0xffff  }
0xa9: {  	v2 =	vld.idx.msk [tilespmem:v3+s16+$0x0], $0xffff;
	v0 =	vand.u32 $0x7FFFFFFF, v0  }
0xaa: {  	v1 =	vld [tilespmem:s9+$0xFFFFFF80];
	v0 =	vsub.f32 $0.0e+00, v0  }
0xab: {  	v3 =	vld.idx.msk [tilespmem:v4+s16+$0x0], $0xffff  }
0xac: {  	v5 =	vld.idx.msk [tilespmem:v5+s16+$0x0], $0xffff;
	v0 =	vmul.f32 $1.442695020e+00, v0  }
0xad: {  	v6 =	vld.idx.msk [tilespmem:v6+s16+$0x0], $0xffff  }
0xae: {  	v13 =	vld [tilespmem:s9+$0xFFFFFFE0];
	(erf) = vpow2.f32 v0  }
0xaf: {  	v7 =	vld.idx.msk [tilespmem:v7+s16+$0x0], $0xffff  }
0xb0: {  	v8 =	vld.idx.msk [tilespmem:v8+s16+$0x0], $0xffff;
	v0 =	vsub.f32 v2, v3  }
0xb1: {  	v4 =	vld.idx.msk [tilespmem:v10+s16+$0x0], $0xffff  }
0xb2: {  	v5 =	vsub.f32 v5, v6;
	v16 =	vld.idx.msk [tilespmem:v1+s16+$0x0], $0xffff;
	v1 =	vand.u32 $0x7FFFFFFF, v0  }
0xb3: {  	v2 =	vld.idx.msk [tilespmem:v9+s16+$0x0], $0xffff;
	v6 =	vsub.f32 $0.0e+00, v1  }
0xb4: {  	v5 =	vand.u32 $0x7FFFFFFF, v5;
	v3 =	vld.idx.msk [tilespmem:v12+s16+$0x0], $0xffff  }
0xb5: {  	v9 =	vsub.f32 v7, v8;
	v8 =	vsub.f32 $0.0e+00, v5;
	v5 =	vld.idx.msk [tilespmem:v14+s16+$0x0], $0xffff  }
0xb6: {  	v0 =	vld.idx.msk [tilespmem:v11+s16+$0x0], $0xffff  }
0xb7: {  	s1 =	simm.s32 $0x1E5B0;
	s8 =	simm.s32 $0x0;
	s9 =	simm.s32 $0x1B4F0;
	v1 =	vld.idx.msk [tilespmem:v13+s16+$0x0], $0xffff;
	v7 =	vmul.f32 $1.442695020e+00, v6;
	v10 =	vsub.f32 v16, v15;
	v6 =	vpop (erf)  }
.LBB2_5:
0xb8: {  	v11 =	vld [tilespmem:s9+$0xFFFFFFF0];
	v9 =	vand.u32 $0x7FFFFFFF, v9;
	[tilespmem:s1+$0x30] =	vst v6  }
0xb9: {  	s8 =	sadd.s32 $0x80, s8;
	v2 =	vsub.f32 v2, v4;
	v6 =	vld [tilespmem:s9+$0x70];
	v10 =	vand.u32 $0x7FFFFFFF, v10;
	v9 =	vsub.f32 $0.0e+00, v9  }
0xba: {  	p1 =	slt.u32 s8, $0x980;
	v8 =	vmul.f32 $1.442695020e+00, v8;
	v4 =	vld [tilespmem:s9+$0x0];
	v10 =	vsub.f32 $0.0e+00, v10;
	(erf) = vpow2.f32 v7  }
0xbb: {  	v2 =	vand.u32 $0x7FFFFFFF, v2;
	v0 =	vsub.f32 v0, v3;
	v7 =	vld [tilespmem:s9+$0xFFFFFF90];
	v9 =	vmul.f32 $1.442695020e+00, v9  }
0xbc: {  	v2 =	vsub.f32 $0.0e+00, v2;
	v3 =	vld [tilespmem:s9+$0x10];
	v10 =	vmul.f32 $1.442695020e+00, v10;
	(erf) = vpow2.f32 v8  }
0xbd: {  	v0 =	vand.u32 $0x7FFFFFFF, v0;
	v1 =	vsub.f32 v1, v5;
	v8 =	vld [tilespmem:s9+$0xFFFFFFA0];
	(erf) = vpow2.f32 v9  }
0xbe: {  	v2 =	vmul.f32 $1.442695020e+00, v2;
	v0 =	vsub.f32 $0.0e+00, v0;
	v5 =	vld [tilespmem:s9+$0x20];
	(erf) = vpow2.f32 v10  }
0xbf: {  	v1 =	vand.u32 $0x7FFFFFFF, v1;
	v9 =	vld [tilespmem:s9+$0xFFFFFFB0]  }
0xc0: {  	v0 =	vmul.f32 $1.442695020e+00, v0;
	v1 =	vsub.f32 $0.0e+00, v1;
	v10 =	vld.idx.msk [tilespmem:v11+s16+$0x0], $0xffff;
	(erf) = vpow2.f32 v2  }
0xc1: {  	v2 =	vld.idx.msk [tilespmem:v6+s16+$0x0], $0xffff  }
0xc2: {  	v1 =	vmul.f32 $1.442695020e+00, v1;
	v6 =	vld [tilespmem:s9+$0x30];
	(erf) = vpow2.f32 v0  }
0xc3: {  	v0 =	vld [tilespmem:s9+$0xFFFFFFC0];
	v11 =	vpop (erf)  }
0xc4: {  	v12 =	vld [tilespmem:s9+$0x40];
	[tilespmem:s1+$0xFFFFFFD0] =	vst v11;
	(erf) = vpow2.f32 v1  }
0xc5: {  	v1 =	vld [tilespmem:s9+$0xFFFFFFD0];
	v11 =	vpop (erf)  }
0xc6: {  	v13 =	vld [tilespmem:s9+$0x50];
	[tilespmem:s1+$0xFFFFFFE0] =	vst v11;
	v11 =	vpop (erf)  }
0xc7: {  	v2 =	vsub.f32 v10, v2;
	v14 =	vld [tilespmem:s9+$0xFFFFFFE0];
	[tilespmem:s1+$0xFFFFFFF0] =	vst v11;
	v10 =	vpop (erf)  }
0xc8: {  	v11 =	vld [tilespmem:s9+$0x60];
	[tilespmem:s1+$0xFFFFFFC0] =	vst v10  }
0xc9: {  	v2 =	vand.u32 $0x7FFFFFFF, v2;
	v10 =	vld [tilespmem:s9+$0xFFFFFF80];
	v15 =	vpop (erf)  }
0xca: {  	v2 =	vsub.f32 $0.0e+00, v2;
	v16 =	vld.idx.msk [tilespmem:v4+s16+$0x0], $0xffff;
	[tilespmem:s1+$0x0] =	vst v15  }
0xcb: {  	v4 =	vld.idx.msk [tilespmem:v7+s16+$0x0], $0xffff;
	v7 =	vpop (erf)  }
0xcc: {  	v2 =	vmul.f32 $1.442695020e+00, v2;
	v3 =	vld.idx.msk [tilespmem:v3+s16+$0x0], $0xffff;
	[tilespmem:s1+$0x10] =	vst v7  }
0xcd: {  	v7 =	vld.idx.msk [tilespmem:v8+s16+$0x0], $0xffff;
	v8 =	vpop (erf)  }
0xce: {  	v5 =	vld.idx.msk [tilespmem:v5+s16+$0x0], $0xffff;
	(erf) = vpow2.f32 v2;
	[tilespmem:s1+$0x20] =	vst v8  }
0xcf: {  	v8 =	vld.idx.msk [tilespmem:v9+s16+$0x0], $0xffff  }
0xd0: {  	v6 =	vld.idx.msk [tilespmem:v6+s16+$0x0], $0xffff  }
0xd1: {  	v10 =	vld.idx.msk [tilespmem:v10+s16+$0x0], $0xffff  }
0xd2: {  	v3 =	vsub.f32 v4, v3;
	v2 =	vld.idx.msk [tilespmem:v0+s16+$0x0], $0xffff  }
.Ltmp3:
0xd3: {  	v4 =	vld.idx.msk [tilespmem:v12+s16+$0x0], $0xffff;
	(pc) =	sbr.rel @p1 .LBB2_5-.Ltmp3, $4  }
0xd4: {  	v3 =	vand.u32 $0x7FFFFFFF, v3;
	v5 =	vsub.f32 v7, v5;
	v0 =	vld.idx.msk [tilespmem:v1+s16+$0x0], $0xffff  }
0xd5: {  	v7 =	vsub.f32 $0.0e+00, v3;
	v3 =	vld.idx.msk [tilespmem:v13+s16+$0x0], $0xffff  }
0xd6: {  	v5 =	vand.u32 $0x7FFFFFFF, v5;
	v9 =	vsub.f32 v8, v6;
	v1 =	vld.idx.msk [tilespmem:v14+s16+$0x0], $0xffff  }
0xd7: {  	s9 =	sadd.s32 $0x100, s9;
	s1 =	sadd.s32 $0x80, s1;
	v10 =	vsub.f32 v10, v16;
	v7 =	vmul.f32 $1.442695020e+00, v7;
	v8 =	vsub.f32 $0.0e+00, v5;
	v5 =	vld.idx.msk [tilespmem:v11+s16+$0x0], $0xffff;
	v6 =	vpop (erf)  }
0xd8: {  	_ = 	snop  }
0xd9: {  	v9 =	vand.u32 $0x7FFFFFFF, v9;
	v2 =	vsub.f32 v2, v4  }
0xda: {  	v10 =	vand.u32 $0x7FFFFFFF, v10;
	v9 =	vsub.f32 $0.0e+00, v9;
	v8 =	vmul.f32 $1.442695020e+00, v8  }
0xdb: {  	(erf) = vpow2.f32 v7;
	v4 =	vsub.f32 $0.0e+00, v10;
	v0 =	vsub.f32 v0, v3  }
0xdc: {  	v2 =	vand.u32 $0x7FFFFFFF, v2;
	v3 =	vmul.f32 $1.442695020e+00, v9;
	v1 =	vsub.f32 v1, v5  }
0xdd: {  	v2 =	vsub.f32 $0.0e+00, v2;
	(erf) = vpow2.f32 v8;
	v0 =	vand.u32 $0x7FFFFFFF, v0  }
0xde: {  	v4 =	vmul.f32 $1.442695020e+00, v4;
	v0 =	vsub.f32 $0.0e+00, v0;
	v1 =	vand.u32 $0x7FFFFFFF, v1  }
0xdf: {  	(erf) = vpow2.f32 v3;
	v2 =	vmul.f32 $1.442695020e+00, v2;
	v1 =	vsub.f32 $0.0e+00, v1  }
0xe0: {  	(erf) = vpow2.f32 v4;
	v0 =	vmul.f32 $1.442695020e+00, v0  }
0xe1: {  	(erf) = vpow2.f32 v2;
	v1 =	vmul.f32 $1.442695020e+00, v1  }
0xe2: {  	(erf) = vpow2.f32 v0  }
0xe3: {  	(erf) = vpow2.f32 v1;
	_ =	sdelay $0x2  }
0xe4: {  	[tilespmem:s1+$0x30] =	vst v6;
	v0 =	vpop (erf)  }
0xe5: {  	[tilespmem:s1+$0xFFFFFFD0] =	vst v0;
	v0 =	vpop (erf)  }
0xe6: {  	s8 =	sadd.s32 s11, s15;
	[tilespmem:s1+$0xFFFFFFE0] =	vst v0;
	v0 =	vpop (erf)  }
0xe7: {  	p1 =	slt.s32 s8, $0x9C3;
	[tilespmem:s1+$0xFFFFFFF0] =	vst v0;
	v0 =	vpop (erf)  }
0xe8: {  	s8 =	simm.s32 @!p1 $0x9C3;
	[tilespmem:s1+$0xFFFFFFC0] =	vst v0;
	v0 =	vpop (erf)  }
0xe9: {  	s9 =	smul.u32 $0x140, s8;
	[tilespmem:s1+$0x0] =	vst v0;
	v0 =	vpop (erf)  }
0xea: {  	[tilespmem:s1+$0x10] =	vst v0;
	v0 =	vpop (erf)  }
0xeb: {  	p1 =	seq.s32 s14, $0x1A;
	s8 =	smul.u32 $0x280, s8;
	s9 =	sadd.s32 s4, s9;
	[tilespmem:s1+$0x20] =	vst v0  }
0xec: {  	[hbm4b:s9+s7] =	stream.linear.scatter [tilespmem:s23], [sflag:$0x5], $0xA00, $0x38;
	[tilespmem:$0x1F970] =	vst v63  }
0xed: {  	s8 =	sadd.s32 s2, s8;
	s1 =	sadd.s32 @!p1 s12, s15  }
0xee: {  	[hbm4b:s8+s7] =	stream.linear.scatter [tilespmem:s24], [sflag:$0x8], $0x1400, $0x38;
	[tilespmem:$0x1F970] =	vst v63  }
0xef: {  	p2 =	slt.s32 @!p1 s1, $0x9C3;
	_ =	swait.ge [sflag:s25], $0xA00  }
0xf0: {  	p2 =	por !p2, p1;
	[sflag:s25] =	ssyncset.done $0x0  }
0xf1: {  	s1 =	simm.s32 @p2 $0x9C3;
	[sflag:s25] =	ssyncadd.s32 $0xFFFFF600  }
0xf2: {  	s1 =	smul.u32 @!p1 $0x280, s1;
	_ =	swait.ge [sflag:s26], $0x1400  }
0xf3: {  	s9 =	simm.s32 @!p1 $0x19F70;
	[sflag:s26] =	ssyncset.done $0x0  }
0xf4: {  	s8 =	simm.s32 @!p1 $0x0;
	s1 =	sadd.s32 @!p1 s0, s1;
	[sflag:s26] =	ssyncadd.s32 $0xFFFFEC00  }
0xf5: {  	[tilespmem:s9], [sflag:$0x1] =	stream.linear.gather @!p1 [hbm4b:s1+s8], $0x1400, $0x38;
	[tilespmem:$0x1F970] =	vst v63  }
0xf6: {  	_ =	swait.ge [sflag:s28], $0x1400  }
0xf7: {  	[sflag:s28] =	ssyncset.done $0x0  }
0xf8: {  	s9 =	simm.s32 $0x1C7F0;
	[sflag:s28] =	ssyncadd.s32 $0xFFFFEC00  }
0xf9: {  	v0 =	vld [tilespmem:s9+$0xFFFFFFF0]  }
0xfa: {  	v1 =	vld [tilespmem:s9+$0x70]  }
0xfb: {  	v2 =	vld [tilespmem:s9+$0x0]  }
0xfc: {  	v3 =	vld [tilespmem:s9+$0xFFFFFF90]  }
0xfd: {  	v4 =	vld [tilespmem:s9+$0x10]  }
0xfe: {  	v5 =	vld [tilespmem:s9+$0xFFFFFFA0]  }
0xff: {  	v6 =	vld [tilespmem:s9+$0x20]  }
0x100: {  	v7 =	vld [tilespmem:s9+$0xFFFFFFB0]  }
0x101: {  	v8 =	vld [tilespmem:s9+$0x30]  }
0x102: {  	v0 =	vld.idx.msk [tilespmem:v0+s16+$0x0], $0xffff  }
0x103: {  	v1 =	vld.idx.msk [tilespmem:v1+s16+$0x0], $0xffff  }
0x104: {  	v9 =	vld [tilespmem:s9+$0xFFFFFFC0]  }
0x105: {  	v10 =	vld [tilespmem:s9+$0x40]  }
0x106: {  	v11 =	vld [tilespmem:s9+$0xFFFFFFD0]  }
0x107: {  	v12 =	vld [tilespmem:s9+$0x50]  }
0x108: {  	v14 =	vld [tilespmem:s9+$0x60];
	v0 =	vsub.f32 v0, v1  }
0x109: {  	v15 =	vld.idx.msk [tilespmem:v2+s16+$0x0], $0xffff  }
0x10a: {  	v2 =	vld.idx.msk [tilespmem:v3+s16+$0x0], $0xffff;
	v0 =	vand.u32 $0x7FFFFFFF, v0  }
0x10b: {  	v1 =	vld [tilespmem:s9+$0xFFFFFF80];
	v0 =	vsub.f32 $0.0e+00, v0  }
0x10c: {  	v3 =	vld.idx.msk [tilespmem:v4+s16+$0x0], $0xffff  }
0x10d: {  	v5 =	vld.idx.msk [tilespmem:v5+s16+$0x0], $0xffff;
	v0 =	vmul.f32 $1.442695020e+00, v0  }
0x10e: {  	v6 =	vld.idx.msk [tilespmem:v6+s16+$0x0], $0xffff  }
0x10f: {  	v13 =	vld [tilespmem:s9+$0xFFFFFFE0];
	(erf) = vpow2.f32 v0  }
0x110: {  	v7 =	vld.idx.msk [tilespmem:v7+s16+$0x0], $0xffff  }
0x111: {  	v8 =	vld.idx.msk [tilespmem:v8+s16+$0x0], $0xffff;
	v0 =	vsub.f32 v2, v3  }
0x112: {  	v4 =	vld.idx.msk [tilespmem:v10+s16+$0x0], $0xffff  }
0x113: {  	v5 =	vsub.f32 v5, v6;
	v16 =	vld.idx.msk [tilespmem:v1+s16+$0x0], $0xffff;
	v1 =	vand.u32 $0x7FFFFFFF, v0  }
0x114: {  	v2 =	vld.idx.msk [tilespmem:v9+s16+$0x0], $0xffff;
	v6 =	vsub.f32 $0.0e+00, v1  }
0x115: {  	v5 =	vand.u32 $0x7FFFFFFF, v5;
	v3 =	vld.idx.msk [tilespmem:v12+s16+$0x0], $0xffff  }
0x116: {  	v9 =	vsub.f32 v7, v8;
	v8 =	vsub.f32 $0.0e+00, v5;
	v5 =	vld.idx.msk [tilespmem:v14+s16+$0x0], $0xffff  }
0x117: {  	v0 =	vld.idx.msk [tilespmem:v11+s16+$0x0], $0xffff  }
0x118: {  	s1 =	simm.s32 $0x1EFB0;
	s8 =	simm.s32 $0x0;
	s9 =	simm.s32 $0x1C8F0;
	v1 =	vld.idx.msk [tilespmem:v13+s16+$0x0], $0xffff;
	v7 =	vmul.f32 $1.442695020e+00, v6;
	v10 =	vsub.f32 v16, v15;
	v6 =	vpop (erf)  }
.LBB2_7:
0x119: {  	v11 =	vld [tilespmem:s9+$0xFFFFFFF0];
	v9 =	vand.u32 $0x7FFFFFFF, v9;
	[tilespmem:s1+$0x30] =	vst v6  }
0x11a: {  	s8 =	sadd.s32 $0x80, s8;
	v2 =	vsub.f32 v2, v4;
	v6 =	vld [tilespmem:s9+$0x70];
	v10 =	vand.u32 $0x7FFFFFFF, v10;
	v9 =	vsub.f32 $0.0e+00, v9  }
0x11b: {  	p2 =	slt.u32 s8, $0x980;
	v8 =	vmul.f32 $1.442695020e+00, v8;
	v4 =	vld [tilespmem:s9+$0x0];
	v10 =	vsub.f32 $0.0e+00, v10;
	(erf) = vpow2.f32 v7  }
0x11c: {  	v2 =	vand.u32 $0x7FFFFFFF, v2;
	v0 =	vsub.f32 v0, v3;
	v7 =	vld [tilespmem:s9+$0xFFFFFF90];
	v9 =	vmul.f32 $1.442695020e+00, v9  }
0x11d: {  	v2 =	vsub.f32 $0.0e+00, v2;
	v3 =	vld [tilespmem:s9+$0x10];
	v10 =	vmul.f32 $1.442695020e+00, v10;
	(erf) = vpow2.f32 v8  }
0x11e: {  	v0 =	vand.u32 $0x7FFFFFFF, v0;
	v1 =	vsub.f32 v1, v5;
	v8 =	vld [tilespmem:s9+$0xFFFFFFA0];
	(erf) = vpow2.f32 v9  }
0x11f: {  	v2 =	vmul.f32 $1.442695020e+00, v2;
	v0 =	vsub.f32 $0.0e+00, v0;
	v5 =	vld [tilespmem:s9+$0x20];
	(erf) = vpow2.f32 v10  }
0x120: {  	v1 =	vand.u32 $0x7FFFFFFF, v1;
	v9 =	vld [tilespmem:s9+$0xFFFFFFB0]  }
0x121: {  	v0 =	vmul.f32 $1.442695020e+00, v0;
	v1 =	vsub.f32 $0.0e+00, v1;
	v10 =	vld.idx.msk [tilespmem:v11+s16+$0x0], $0xffff;
	(erf) = vpow2.f32 v2  }
0x122: {  	v2 =	vld.idx.msk [tilespmem:v6+s16+$0x0], $0xffff  }
0x123: {  	v1 =	vmul.f32 $1.442695020e+00, v1;
	v6 =	vld [tilespmem:s9+$0x30];
	(erf) = vpow2.f32 v0  }
0x124: {  	v0 =	vld [tilespmem:s9+$0xFFFFFFC0];
	v11 =	vpop (erf)  }
0x125: {  	v12 =	vld [tilespmem:s9+$0x40];
	[tilespmem:s1+$0xFFFFFFD0] =	vst v11;
	(erf) = vpow2.f32 v1  }
0x126: {  	v1 =	vld [tilespmem:s9+$0xFFFFFFD0];
	v11 =	vpop (erf)  }
0x127: {  	v13 =	vld [tilespmem:s9+$0x50];
	[tilespmem:s1+$0xFFFFFFE0] =	vst v11;
	v11 =	vpop (erf)  }
0x128: {  	v2 =	vsub.f32 v10, v2;
	v14 =	vld [tilespmem:s9+$0xFFFFFFE0];
	[tilespmem:s1+$0xFFFFFFF0] =	vst v11;
	v10 =	vpop (erf)  }
0x129: {  	v11 =	vld [tilespmem:s9+$0x60];
	[tilespmem:s1+$0xFFFFFFC0] =	vst v10  }
0x12a: {  	v2 =	vand.u32 $0x7FFFFFFF, v2;
	v10 =	vld [tilespmem:s9+$0xFFFFFF80];
	v15 =	vpop (erf)  }
0x12b: {  	v2 =	vsub.f32 $0.0e+00, v2;
	v16 =	vld.idx.msk [tilespmem:v4+s16+$0x0], $0xffff;
	[tilespmem:s1+$0x0] =	vst v15  }
0x12c: {  	v4 =	vld.idx.msk [tilespmem:v7+s16+$0x0], $0xffff;
	v7 =	vpop (erf)  }
0x12d: {  	v2 =	vmul.f32 $1.442695020e+00, v2;
	v3 =	vld.idx.msk [tilespmem:v3+s16+$0x0], $0xffff;
	[tilespmem:s1+$0x10] =	vst v7  }
0x12e: {  	v7 =	vld.idx.msk [tilespmem:v8+s16+$0x0], $0xffff;
	v8 =	vpop (erf)  }
0x12f: {  	v5 =	vld.idx.msk [tilespmem:v5+s16+$0x0], $0xffff;
	(erf) = vpow2.f32 v2;
	[tilespmem:s1+$0x20] =	vst v8  }
0x130: {  	v8 =	vld.idx.msk [tilespmem:v9+s16+$0x0], $0xffff  }
0x131: {  	v6 =	vld.idx.msk [tilespmem:v6+s16+$0x0], $0xffff  }
0x132: {  	v10 =	vld.idx.msk [tilespmem:v10+s16+$0x0], $0xffff  }
0x133: {  	v3 =	vsub.f32 v4, v3;
	v2 =	vld.idx.msk [tilespmem:v0+s16+$0x0], $0xffff  }
.Ltmp4:
0x134: {  	v4 =	vld.idx.msk [tilespmem:v12+s16+$0x0], $0xffff;
	(pc) =	sbr.rel @p2 .LBB2_7-.Ltmp4, $4  }
0x135: {  	v3 =	vand.u32 $0x7FFFFFFF, v3;
	v5 =	vsub.f32 v7, v5;
	v0 =	vld.idx.msk [tilespmem:v1+s16+$0x0], $0xffff  }
0x136: {  	v7 =	vsub.f32 $0.0e+00, v3;
	v3 =	vld.idx.msk [tilespmem:v13+s16+$0x0], $0xffff  }
0x137: {  	v5 =	vand.u32 $0x7FFFFFFF, v5;
	v9 =	vsub.f32 v8, v6;
	v1 =	vld.idx.msk [tilespmem:v14+s16+$0x0], $0xffff  }
0x138: {  	s9 =	sadd.s32 $0x100, s9;
	s1 =	sadd.s32 $0x80, s1;
	v10 =	vsub.f32 v10, v16;
	v7 =	vmul.f32 $1.442695020e+00, v7;
	v8 =	vsub.f32 $0.0e+00, v5;
	v5 =	vld.idx.msk [tilespmem:v11+s16+$0x0], $0xffff;
	v6 =	vpop (erf)  }
0x139: {  	_ = 	snop  }
0x13a: {  	v9 =	vand.u32 $0x7FFFFFFF, v9;
	v2 =	vsub.f32 v2, v4  }
0x13b: {  	v10 =	vand.u32 $0x7FFFFFFF, v10;
	v9 =	vsub.f32 $0.0e+00, v9;
	v8 =	vmul.f32 $1.442695020e+00, v8  }
0x13c: {  	(erf) = vpow2.f32 v7;
	v55 =	vsub.f32 $0.0e+00, v10;
	v0 =	vsub.f32 v0, v3  }
0x13d: {  	v2 =	vand.u32 $0x7FFFFFFF, v2;
	v56 =	vmul.f32 $1.442695020e+00, v9;
	v1 =	vsub.f32 v1, v5  }
0x13e: {  	v2 =	vsub.f32 $0.0e+00, v2;
	(erf) = vpow2.f32 v8;
	v0 =	vand.u32 $0x7FFFFFFF, v0  }
0x13f: {  	v4 =	vmul.f32 $1.442695020e+00, v55;
	v0 =	vsub.f32 $0.0e+00, v0;
	v1 =	vand.u32 $0x7FFFFFFF, v1  }
0x140: {  	(erf) = vpow2.f32 v56;
	v2 =	vmul.f32 $1.442695020e+00, v2;
	v1 =	vsub.f32 $0.0e+00, v1  }
0x141: {  	(erf) = vpow2.f32 v4;
	v0 =	vmul.f32 $1.442695020e+00, v0  }
0x142: {  	(erf) = vpow2.f32 v2;
	v1 =	vmul.f32 $1.442695020e+00, v1  }
0x143: {  	(erf) = vpow2.f32 v0  }
0x144: {  	(erf) = vpow2.f32 v1;
	_ =	sdelay $0x2  }
0x145: {  	[tilespmem:s1+$0x30] =	vst v6;
	v57 =	vpop (erf)  }
0x146: {  	[tilespmem:s1+$0xFFFFFFD0] =	vst v57;
	v58 =	vpop (erf)  }
0x147: {  	[tilespmem:s1+$0xFFFFFFE0] =	vst v58;
	v59 =	vpop (erf)  }
0x148: {  	[tilespmem:s1+$0xFFFFFFF0] =	vst v59;
	v60 =	vpop (erf)  }
0x149: {  	[tilespmem:s1+$0xFFFFFFC0] =	vst v60;
	v61 =	vpop (erf)  }
0x14a: {  	s8 =	smul.u32 $0x140, s17;
	[tilespmem:s1+$0x0] =	vst v61;
	v62 =	vpop (erf)  }
0x14b: {  	[tilespmem:s1+$0x10] =	vst v62;
	v63 =	vpop (erf)  }
0x14c: {  	s9 =	sadd.s32 s4, s8;
	[tilespmem:s1+$0x20] =	vst v63  }
0x14d: {  	[hbm4b:s9+s7] =	stream.linear.scatter [tilespmem:s29], [sflag:$0x6], $0xA00, $0x38;
	[tilespmem:$0x1F970] =	vst v63  }
0x14e: {  	s17 =	sadd.s32 s2, s3  }
0x14f: {  	[hbm4b:s17+s7] =	stream.linear.scatter [tilespmem:s21], [sflag:$0x9], $0x1400, $0x38;
	[tilespmem:$0x1F970] =	vst v63  }
0x150: {  	_ =	swait.ge [sflag:s30], $0xA00  }
.Ltmp5:
0x151: {  	[sflag:s30] =	ssyncset.done $0x0;
	(pc) =	sbr.rel @p1 .LBB2_10-.Ltmp5, $4  }
0x152: {  	[sflag:s30] =	ssyncadd.s32 $0xFFFFF600  }
0x153: {  	_ =	swait.ge [sflag:s31], $0x1400  }
0x154: {  	[sflag:s31] =	ssyncset.done $0x0  }
0x155: {  	[sflag:s31] =	ssyncadd.s32 $0xFFFFEC00  }
0x156: {  	s1 =	sadd.s32 s13, s15  }
0x157: {  	p1 =	slt.s32 s1, $0x9C3  }
.Ltmp6:
0x158: {  	s1 =	simm.s32 @!p1 $0x9C3;
	(pc) =	sbr.rel .LBB2_2-.Ltmp6, $3  }
0x159: {  	s1 =	smul.u32 $0x280, s1;
	_ =	sdelay $0x1  }
0x15a: {  	s14 =	sadd.s32 $0x1, s14;
	s1 =	sadd.s32 s0, s1  }
0x15b: {  	[tilespmem:s24], [sflag:$0x2] =	stream.linear.gather [hbm4b:s1+s7], $0x1400, $0x38;
	[tilespmem:$0x1F970] =	vst v63  }
.LBB2_11:
0x15c: {  	_ =	sfence.sel $0x180000  }
0x15d: {  	[bflag:$0x0] =	sbarrier.arrive $0xFFFF  }
0x15e: {  	_ =	strace $0x90000047  }
0x15f: {  	[bflag:$0x2] =	sbarrier.arrive $0xFFFF  }
0x160: {  	s0 =	rddreg [dreg:$0x5]  }
0x161: {  	s0 =	sadd.s32 @!p0 $0x100000, s0  }
0x162: {  	[sflag:s0] =	ssyncadd.tile.s32 @!p0 $0x1;
	_ =	shalt  }
.Lfunc_end2:
_tile_overlayer_lowered:
.L_overlay_start_2:
0x163: {  	(tag) =	ssettag $0x2  }
0x164: {  	s0 =	rddreg [dreg:$0x0];
	s2 =	stileid.u32  }
0x165: {  	s1 =	rddreg [dreg:$0x1];
	p0 =	sne.s32 s2, $0x0  }
0x166: {  	s3 =	rddreg [dreg:$0x2];
	[bflag:$0x3] =	sbarrier.arrive $0xFFFF;
	s2 =	simm.s32 @!p0 $0x1C0B  }
0x167: {  	[timem:s3], [sflag:s2] =	dma.local @!p0 [hbm:s0], s1  }
0x168: {  	s0 =	simm.s32 @!p0 $0xB  }
0x169: {  	_ =	swait.ge @!p0 [sflag:s0], s1  }
0x16a: {  	s1 =	ssub.s32 @!p0 $0x0, s1;
	[sflag:s0] =	ssyncset.done @!p0 $0x0  }
0x16b: {  	[sflag:s0] =	ssyncadd.s32 @!p0 s1  }
0x16c: {  	[bflag:$0x3] =	sbarrier.arrive $0xFFFF  }
0x16d: {  	_ =	shalt  }

</sc_bundles>
